<compile_context>
chip_gen: v7x
topology: tpu7x:2x2x1
jax: 0.10.2.dev20260603
libtpu: 0.0.44.dev20260713+nightly
codegen_flags: <defaults>
</compile_context>

<pallas_src>
import jax
import jax.numpy as jnp
from jax import lax
from jax.experimental import pallas as pl
from jax.experimental.pallas import tpu as pltpu
from jax.experimental.pallas import tpu_sc as plsc

D = 1024
V = 100000

BV = 2048
NBT = 34

VS = 67968
VSC = V - VS
NW = 32
CW = 1024
R = 16
NG = D // R
NJ = CW // 16


def _tc_body(x_ref, w_ref, b_ref, vmax_out, vidx_out, vmax, vidx):
    j = pl.program_id(0)
    logits = jnp.dot(x_ref[...], w_ref[...],
                     preferred_element_type=jnp.float32) + b_ref[...]
    col = jax.lax.broadcasted_iota(jnp.int32, (1, BV), 1) + j * BV

    @pl.when(j == 0)
    def _():
        vmax[...] = logits
        vidx[...] = col

    @pl.when(j > 0)
    def _():
        upd = logits > vmax[...]
        vmax[...] = jnp.where(upd, logits, vmax[...])
        vidx[...] = jnp.where(upd, col, vidx[...])

    @pl.when(j == NBT - 1)
    def _():
        vmax_out[...] = vmax[...]
        vidx_out[...] = vidx[...]


def _sc_body(x_hbm, w_hbm, b_hbm, vals_hbm, idx_hbm,
             xv, acc, wb0, wb1, st_v, st_i, sem0, sem1):
    cid = lax.axis_index("c")
    sid = lax.axis_index("s")
    wid = sid * 2 + cid
    lo = VS + ((wid * (VSC - CW)) // (NW - 1)) // 8 * 8

    pltpu.sync_copy(x_hbm, xv)
    pltpu.sync_copy(b_hbm.at[pl.ds(lo, CW)], acc)

    def start(g, buf, sem):
        pltpu.async_copy(
            w_hbm.at[pl.ds(g * R, R), pl.ds(lo, CW)], buf, sem)

    def wait_g(g, buf, sem):
        pltpu.make_async_copy(
            w_hbm.at[pl.ds(g * R, R), pl.ds(lo, CW)], buf, sem).wait()

    start(0, wb0, sem0)
    start(1, wb1, sem1)

    def gbody(t, _):
        for bi, (buf, sem) in enumerate(((wb0, sem0), (wb1, sem1))):
            g = 2 * t + bi
            wait_g(g, buf, sem)
            xg = xv[pl.ds(g * R, 16)]
            xs = [xg[r] for r in range(R)]

            @plsc.parallel_loop(0, NJ, unroll=4)
            def _fma(j):
                sl = pl.ds(j * 16, 16)
                parts = []
                for c in range(4):
                    p = xs[4 * c] * buf[4 * c, sl]
                    for r in range(4 * c + 1, 4 * c + 4):
                        p = p + xs[r] * buf[r, sl]
                    parts.append(p)
                plsc.addupdate(acc.at[sl], (parts[0] + parts[1]) +
                               (parts[2] + parts[3]))

            @pl.when(g + 2 < NG)
            def _():
                start(g + 2, buf, sem)
        return 0

    lax.fori_loop(0, NG // 2, gbody, 0)

    def rbody(j, carry):
        vm, vi = carry
        v = acc[pl.ds(j * 16, 16)]
        col = lo + j * 16 + lax.iota(jnp.int32, 16)
        upd = v > vm
        return jnp.where(upd, v, vm), jnp.where(upd, col, vi)

    vm0 = acc[pl.ds(0, 16)]
    vi0 = lo + lax.iota(jnp.int32, 16)
    vm, vi = lax.fori_loop(1, NJ, rbody, (vm0, vi0))

    st_v[...] = vm
    st_i[...] = vi
    pltpu.sync_copy(st_v, vals_hbm.at[wid])
    pltpu.sync_copy(st_i, idx_hbm.at[wid])


_sc_top1 = pl.kernel(
    _sc_body,
    out_type=[
        jax.ShapeDtypeStruct((NW, 16), jnp.float32),
        jax.ShapeDtypeStruct((NW, 16), jnp.int32),
    ],
    mesh=plsc.VectorSubcoreMesh(core_axis_name="c", subcore_axis_name="s"),
    compiler_params=pltpu.CompilerParams(use_tc_tiling_on_sc=False),
    scratch_types=[
        pltpu.VMEM((D,), jnp.float32),
        pltpu.VMEM((CW,), jnp.float32),
        pltpu.VMEM((R, CW), jnp.float32),
        pltpu.VMEM((R, CW), jnp.float32),
        pltpu.VMEM((16,), jnp.float32),
        pltpu.VMEM((16,), jnp.int32),
        pltpu.SemaphoreType.DMA,
        pltpu.SemaphoreType.DMA,
    ],
)


def _merge_body(sv_ref, si_ref, tv_ref, ti_ref, out_ref):
    m1 = jnp.max(sv_ref[...])
    m2 = jnp.max(tv_ref[...])
    m = jnp.maximum(m1, m2)
    i1 = jnp.min(jnp.where(sv_ref[...] == m, si_ref[...], V))
    i2 = jnp.min(jnp.where(tv_ref[...] == m, ti_ref[...], V))
    out_ref[0] = jnp.minimum(i1, i2)


def kernel(x, W, b):
    x0 = x[0:1, :]
    b2 = b.reshape(1, V)
    sc_vals, sc_idx = _sc_top1(x[0], W, b)
    tc_vals, tc_idx = pl.pallas_call(
        _tc_body,
        grid=(NBT,),
        in_specs=[
            pl.BlockSpec((1, D), lambda j: (0, 0)),
            pl.BlockSpec((D, BV), lambda j: (0, j)),
            pl.BlockSpec((1, BV), lambda j: (0, j)),
        ],
        out_specs=[
            pl.BlockSpec((1, BV), lambda j: (0, 0)),
            pl.BlockSpec((1, BV), lambda j: (0, 0)),
        ],
        out_shape=[
            jax.ShapeDtypeStruct((1, BV), jnp.float32),
            jax.ShapeDtypeStruct((1, BV), jnp.int32),
        ],
        scratch_shapes=[
            pltpu.VMEM((1, BV), jnp.float32),
            pltpu.VMEM((1, BV), jnp.int32),
        ],
    )(x0, W, b2)
    topk_id = pl.pallas_call(
        _merge_body,
        out_specs=pl.BlockSpec(memory_space=pltpu.SMEM),
        out_shape=jax.ShapeDtypeStruct((1,), jnp.int32),
    )(sc_vals, sc_idx, tc_vals, tc_idx)
    return topk_id

# --- scband reference (transcript-rebuilt; emitter-appended) ---
"""Pipeline reference for scband-top-predictor-10488310137065 (READ-ONLY COPY).

The authoritative reference and input builder live on the scoring server;
editing this copy changes nothing except your own understanding.
"""

import jax, jax.numpy as jnp
import numpy as np

B = 32
D = 1024
V = 100000

def setup_inputs(seed: int = 0) -> dict:
    key = jax.random.key(seed)
    k1, k2, k3 = jax.random.split(key, 3)
    x = jax.random.normal(k1, (B, D), dtype=jnp.float32)
    W = jax.random.normal(k2, (D, V), dtype=jnp.float32) * (1.0 / np.sqrt(D))
    b = jax.random.normal(k3, (V,), dtype=jnp.float32) * 0.01
    return {"x": x, "W": W, "b": b}

def reference(x, W, b):
    # base_model: linear classifier x -> logits over vocab
    logits = jnp.dot(x, W) + b  # [B, V]
    # torch.topk(x[0], 1) -> top-1 index of first row's logits
    vals, topk_id = jax.lax.top_k(logits[0], 1)
    return topk_id

if __name__ == "__main__":
    import jax
    _d = setup_inputs()
    print(jax.jit(kernel)(*tuple(_d.values())))

</pallas_src>

<mosaic_0001>
#map = affine_map<(d0, d1) -> (0)>
#map1 = affine_map<(d0, d1) -> (0, 0)>
module attributes {stable_mosaic.version = 14 : i64} {
  func.func @_sc_body(%arg0: i32, %arg1: i32, %arg2: memref<1024xf32, #tpu.memory_space<hbm>>, %arg3: memref<1024x100000xf32, #tpu.memory_space<hbm>>, %arg4: memref<100000xf32, #tpu.memory_space<hbm>>, %arg5: memref<32x16xf32, #tpu.memory_space<hbm>>, %arg6: memref<32x16xi32, #tpu.memory_space<hbm>>, %arg7: memref<1024xf32, #tpu.memory_space<vmem>>, %arg8: memref<1024xf32, #tpu.memory_space<vmem>>, %arg9: memref<16x1024xf32, #tpu.memory_space<vmem>>, %arg10: memref<16x1024xf32, #tpu.memory_space<vmem>>, %arg11: memref<16xf32, #tpu.memory_space<vmem>>, %arg12: memref<16xi32, #tpu.memory_space<vmem>>, %arg13: memref<!tpu.dma_semaphore, #tpu.memory_space<semaphore_mem>>, %arg14: memref<!tpu.dma_semaphore, #tpu.memory_space<semaphore_mem>>) attributes {dimension_semantics = [#tpu.dimension_semantics<core_parallel>, #tpu.dimension_semantics<subcore_parallel>], iteration_bounds = array<i64: 2, 16>, scalar_prefetch = 0 : i64, scratch_operands = 8 : i64, tpu.core_type = #tpu.core_type<sc_vector_subcore>, window_params = [{transform_indices = #map}, {transform_indices = #map1}, {transform_indices = #map}, {transform_indices = #map1}, {transform_indices = #map1}]} {
    %mul3A = arith.constant 2 : i32
    %mul3A_0 = arith.muli %arg1, %mul3A : i32
    %add3A = arith.addi %mul3A_0, %arg0 : i32
    %mul3A_1 = arith.constant 31008 : i32
    %mul3A_2 = arith.muli %add3A, %mul3A_1 : i32
    %jit3A = arith.constant 31 : i32
    %div3A = arith.divsi %mul3A_2, %jit3A : i32
    %sign3A = arith.constant 0 : i32
    %sign3A_3 = arith.cmpi sgt, %mul3A_2, %sign3A : i32
    %sign3A_4 = arith.extui %sign3A_3 : i1 to i32
    %sign3A_5 = arith.constant 0 : i32
    %sign3A_6 = arith.cmpi slt, %mul3A_2, %sign3A_5 : i32
    %sign3A_7 = arith.extui %sign3A_6 : i1 to i32
    %sign3A_8 = arith.subi %sign3A_4, %sign3A_7 : i32
    %sign3A_9 = arith.constant 0 : i32
    %sign3A_10 = arith.cmpi sgt, %jit3A, %sign3A_9 : i32
    %sign3A_11 = arith.extui %sign3A_10 : i1 to i32
    %sign3A_12 = arith.constant 0 : i32
    %sign3A_13 = arith.cmpi slt, %jit3A, %sign3A_12 : i32
    %sign3A_14 = arith.extui %sign3A_13 : i1 to i32
    %sign3A_15 = arith.subi %sign3A_11, %sign3A_14 : i32
    %ne3A = arith.cmpi ne, %sign3A_8, %sign3A_15 : i32
    %rem3A = arith.remsi %mul3A_2, %jit3A : i32
    %ne3A_16 = arith.constant 0 : i32
    %ne3A_17 = arith.cmpi ne, %rem3A, %ne3A_16 : i32
    %and3A = arith.andi %ne3A, %ne3A_17 : i1
    %sub3A = arith.constant 1 : i32
    %sub3A_18 = arith.subi %div3A, %sub3A : i32
    %select_n3A = arith.select %and3A, %sub3A_18, %div3A : i32
    %jit3A_19 = arith.constant 8 : i32
    %div3A_20 = arith.divsi %select_n3A, %jit3A_19 : i32
    %sign3A_21 = arith.constant 0 : i32
    %sign3A_22 = arith.cmpi sgt, %select_n3A, %sign3A_21 : i32
    %sign3A_23 = arith.extui %sign3A_22 : i1 to i32
    %sign3A_24 = arith.constant 0 : i32
    %sign3A_25 = arith.cmpi slt, %select_n3A, %sign3A_24 : i32
    %sign3A_26 = arith.extui %sign3A_25 : i1 to i32
    %sign3A_27 = arith.subi %sign3A_23, %sign3A_26 : i32
    %sign3A_28 = arith.constant 0 : i32
    %sign3A_29 = arith.cmpi sgt, %jit3A_19, %sign3A_28 : i32
    %sign3A_30 = arith.extui %sign3A_29 : i1 to i32
    %sign3A_31 = arith.constant 0 : i32
    %sign3A_32 = arith.cmpi slt, %jit3A_19, %sign3A_31 : i32
    %sign3A_33 = arith.extui %sign3A_32 : i1 to i32
    %sign3A_34 = arith.subi %sign3A_30, %sign3A_33 : i32
    %ne3A_35 = arith.cmpi ne, %sign3A_27, %sign3A_34 : i32
    %rem3A_36 = arith.remsi %select_n3A, %jit3A_19 : i32
    %ne3A_37 = arith.constant 0 : i32
    %ne3A_38 = arith.cmpi ne, %rem3A_36, %ne3A_37 : i32
    %and3A_39 = arith.andi %ne3A_35, %ne3A_38 : i1
    %sub3A_40 = arith.constant 1 : i32
    %sub3A_41 = arith.subi %div3A_20, %sub3A_40 : i32
    %select_n3A_42 = arith.select %and3A_39, %sub3A_41, %div3A_20 : i32
    %mul3A_43 = arith.constant 8 : i32
    %mul3A_44 = arith.muli %select_n3A_42, %mul3A_43 : i32
    %add3A_45 = arith.constant 67968 : i32
    %add3A_46 = arith.addi %add3A_45, %mul3A_44 : i32
    "tpu.region"() ({
      %run_scoped3A = tpu.sem_alloc : memref<!tpu.dma_semaphore, #tpu.memory_space<semaphore_mem>>
      tpu.enqueue_dma source(%arg2 : memref<1024xf32, #tpu.memory_space<hbm>>) target(%arg7 : memref<1024xf32, #tpu.memory_space<vmem>>) target_semaphore(%run_scoped3A : memref<!tpu.dma_semaphore, #tpu.memory_space<semaphore_mem>>)
      tpu.wait_dma2 semaphore(%run_scoped3A : memref<!tpu.dma_semaphore, #tpu.memory_space<semaphore_mem>>) src(%arg2 : memref<1024xf32, #tpu.memory_space<hbm>>) dst(%arg7 : memref<1024xf32, #tpu.memory_space<vmem>>)
      tpu.yield
    }) : () -> ()
    "tpu.region"() ({
      %run_scoped3A = tpu.sem_alloc : memref<!tpu.dma_semaphore, #tpu.memory_space<semaphore_mem>>
      %dma_start3A_77 = tpu.memref_slice %arg4[%add3A_46] : memref<100000xf32, #tpu.memory_space<hbm>> -> memref<1024xf32, #tpu.memory_space<hbm>>
      %dma_start3A_78 = tpu.memref_slice %arg4[%add3A_46] : memref<100000xf32, #tpu.memory_space<hbm>> -> memref<1024xf32, #tpu.memory_space<hbm>>
      tpu.enqueue_dma source(%dma_start3A_78 : memref<1024xf32, #tpu.memory_space<hbm>>) target(%arg8 : memref<1024xf32, #tpu.memory_space<vmem>>) target_semaphore(%run_scoped3A : memref<!tpu.dma_semaphore, #tpu.memory_space<semaphore_mem>>)
      %dma_wait3A = tpu.memref_slice %arg4[%add3A_46] : memref<100000xf32, #tpu.memory_space<hbm>> -> memref<1024xf32, #tpu.memory_space<hbm>>
      %dma_wait3A_79 = tpu.memref_slice %arg4[%add3A_46] : memref<100000xf32, #tpu.memory_space<hbm>> -> memref<1024xf32, #tpu.memory_space<hbm>>
      tpu.wait_dma2 semaphore(%run_scoped3A : memref<!tpu.dma_semaphore, #tpu.memory_space<semaphore_mem>>) src(%dma_wait3A_79 : memref<1024xf32, #tpu.memory_space<hbm>>) dst(%arg8 : memref<1024xf32, #tpu.memory_space<vmem>>)
      tpu.yield
    }) : () -> ()
    %dma_start3A = arith.constant 0 : i32
    %dma_start3A_47 = tpu.memref_slice %arg3[%dma_start3A, %add3A_46] : memref<1024x100000xf32, #tpu.memory_space<hbm>> -> memref<16x1024xf32, #tpu.memory_space<hbm>>
    %dma_start3A_48 = arith.constant 0 : i32
    %dma_start3A_49 = tpu.memref_slice %arg3[%dma_start3A_48, %add3A_46] : memref<1024x100000xf32, #tpu.memory_space<hbm>> -> memref<16x1024xf32, #tpu.memory_space<hbm>>
    tpu.enqueue_dma source(%dma_start3A_49 : memref<16x1024xf32, #tpu.memory_space<hbm>>) target(%arg9 : memref<16x1024xf32, #tpu.memory_space<vmem>>) target_semaphore(%arg13 : memref<!tpu.dma_semaphore, #tpu.memory_space<semaphore_mem>>)
    %dma_start3A_50 = arith.constant 16 : i32
    %dma_start3A_51 = tpu.memref_slice %arg3[%dma_start3A_50, %add3A_46] : memref<1024x100000xf32, #tpu.memory_space<hbm>> -> memref<16x1024xf32, #tpu.memory_space<hbm>>
    %dma_start3A_52 = arith.constant 16 : i32
    %dma_start3A_53 = tpu.memref_slice %arg3[%dma_start3A_52, %add3A_46] : memref<1024x100000xf32, #tpu.memory_space<hbm>> -> memref<16x1024xf32, #tpu.memory_space<hbm>>
    tpu.enqueue_dma source(%dma_start3A_53 : memref<16x1024xf32, #tpu.memory_space<hbm>>) target(%arg10 : memref<16x1024xf32, #tpu.memory_space<vmem>>) target_semaphore(%arg14 : memref<!tpu.dma_semaphore, #tpu.memory_space<semaphore_mem>>)
    %scan3A = arith.constant 0 : i32
    %scan3A_54 = arith.constant 0 : i32
    %scan3A_55 = arith.constant 32 : i32
    %scan3A_56 = arith.addi %scan3A_54, %scan3A_55 : i32
    %scan3A_57 = arith.constant 1 : i32
    %scan3A_58 = scf.for %scan3A_77 = %scan3A_54 to %scan3A_56 step %scan3A_57 iter_args(%scan3A_78 = %scan3A) -> (i32)  : i32 {
      %mul3A_79 = arith.constant 2 : i32
      %mul3A_80 = arith.muli %mul3A_79, %scan3A_77 : i32
      %add3A_81 = arith.constant 0 : i32
      %add3A_82 = arith.addi %mul3A_80, %add3A_81 : i32
      %mul3A_83 = arith.constant 16 : i32
      %mul3A_84 = arith.muli %add3A_82, %mul3A_83 : i32
      %dma_wait3A = tpu.memref_slice %arg3[%mul3A_84, %add3A_46] : memref<1024x100000xf32, #tpu.memory_space<hbm>> -> memref<16x1024xf32, #tpu.memory_space<hbm>>
      %dma_wait3A_85 = tpu.memref_slice %arg3[%mul3A_84, %add3A_46] : memref<1024x100000xf32, #tpu.memory_space<hbm>> -> memref<16x1024xf32, #tpu.memory_space<hbm>>
      tpu.wait_dma2 semaphore(%arg13 : memref<!tpu.dma_semaphore, #tpu.memory_space<semaphore_mem>>) src(%dma_wait3A_85 : memref<16x1024xf32, #tpu.memory_space<hbm>>) dst(%arg9 : memref<16x1024xf32, #tpu.memory_space<vmem>>)
      %mul3A_86 = arith.constant 16 : i32
      %mul3A_87 = arith.muli %add3A_82, %mul3A_86 : i32
      %get3A_88 = arith.index_cast %mul3A_87 : i32 to index
      %get3A_89 = tpu.vector_load %arg7[%get3A_88] {strides = array<i32>} : memref<1024xf32, #tpu.memory_space<vmem>>, vector<16xf32>,
      %get3A_90 = vector.shape_cast %get3A_89 : vector<16xf32> to vector<16xf32>
      %slice3A = vector.extract_strided_slice %get3A_90 {offsets = [0], sizes = [1], strides = [1]} : vector<16xf32> to vector<1xf32>
      %squeeze3A = vector.extract %slice3A[0] : f32 from vector<1xf32>
      %slice3A_91 = vector.extract_strided_slice %get3A_90 {offsets = [1], sizes = [1], strides = [1]} : vector<16xf32> to vector<1xf32>
      %squeeze3A_92 = vector.extract %slice3A_91[0] : f32 from vector<1xf32>
      %slice3A_93 = vector.extract_strided_slice %get3A_90 {offsets = [2], sizes = [1], strides = [1]} : vector<16xf32> to vector<1xf32>
      %squeeze3A_94 = vector.extract %slice3A_93[0] : f32 from vector<1xf32>
      %slice3A_95 = vector.extract_strided_slice %get3A_90 {offsets = [3], sizes = [1], strides = [1]} : vector<16xf32> to vector<1xf32>
      %squeeze3A_96 = vector.extract %slice3A_95[0] : f32 from vector<1xf32>
      %slice3A_97 = vector.extract_strided_slice %get3A_90 {offsets = [4], sizes = [1], strides = [1]} : vector<16xf32> to vector<1xf32>
      %squeeze3A_98 = vector.extract %slice3A_97[0] : f32 from vector<1xf32>
      %slice3A_99 = vector.extract_strided_slice %get3A_90 {offsets = [5], sizes = [1], strides = [1]} : vector<16xf32> to vector<1xf32>
      %squeeze3A_100 = vector.extract %slice3A_99[0] : f32 from vector<1xf32>
      %slice3A_101 = vector.extract_strided_slice %get3A_90 {offsets = [6], sizes = [1], strides = [1]} : vector<16xf32> to vector<1xf32>
      %squeeze3A_102 = vector.extract %slice3A_101[0] : f32 from vector<1xf32>
      %slice3A_103 = vector.extract_strided_slice %get3A_90 {offsets = [7], sizes = [1], strides = [1]} : vector<16xf32> to vector<1xf32>
      %squeeze3A_104 = vector.extract %slice3A_103[0] : f32 from vector<1xf32>
      %slice3A_105 = vector.extract_strided_slice %get3A_90 {offsets = [8], sizes = [1], strides = [1]} : vector<16xf32> to vector<1xf32>
      %squeeze3A_106 = vector.extract %slice3A_105[0] : f32 from vector<1xf32>
      %slice3A_107 = vector.extract_strided_slice %get3A_90 {offsets = [9], sizes = [1], strides = [1]} : vector<16xf32> to vector<1xf32>
      %squeeze3A_108 = vector.extract %slice3A_107[0] : f32 from vector<1xf32>
      %slice3A_109 = vector.extract_strided_slice %get3A_90 {offsets = [10], sizes = [1], strides = [1]} : vector<16xf32> to vector<1xf32>
      %squeeze3A_110 = vector.extract %slice3A_109[0] : f32 from vector<1xf32>
      %slice3A_111 = vector.extract_strided_slice %get3A_90 {offsets = [11], sizes = [1], strides = [1]} : vector<16xf32> to vector<1xf32>
      %squeeze3A_112 = vector.extract %slice3A_111[0] : f32 from vector<1xf32>
      %slice3A_113 = vector.extract_strided_slice %get3A_90 {offsets = [12], sizes = [1], strides = [1]} : vector<16xf32> to vector<1xf32>
      %squeeze3A_114 = vector.extract %slice3A_113[0] : f32 from vector<1xf32>
      %slice3A_115 = vector.extract_strided_slice %get3A_90 {offsets = [13], sizes = [1], strides = [1]} : vector<16xf32> to vector<1xf32>
      %squeeze3A_116 = vector.extract %slice3A_115[0] : f32 from vector<1xf32>
      %slice3A_117 = vector.extract_strided_slice %get3A_90 {offsets = [14], sizes = [1], strides = [1]} : vector<16xf32> to vector<1xf32>
      %squeeze3A_118 = vector.extract %slice3A_117[0] : f32 from vector<1xf32>
      %slice3A_119 = vector.extract_strided_slice %get3A_90 {offsets = [15], sizes = [1], strides = [1]} : vector<16xf32> to vector<1xf32>
      %squeeze3A_120 = vector.extract %slice3A_119[0] : f32 from vector<1xf32>
      %parallel_loop3A = arith.constant 0 : i32
      %parallel_loop3A_121 = arith.constant 64 : i32
      %parallel_loop3A_122 = arith.constant 1 : i32
      scf.for %parallel_loop3A_183 = %parallel_loop3A to %parallel_loop3A_121 step %parallel_loop3A_122  : i32 {
        %parallel_loop3A_184 = arith.constant 16 : i32
        %parallel_loop3A_185 = arith.muli %parallel_loop3A_183, %parallel_loop3A_184 : i32
        %parallel_loop3A_186 = arith.constant 0 : i32
        %parallel_loop3A_187 = arith.index_cast %parallel_loop3A_186 : i32 to index
        %parallel_loop3A_188 = arith.index_cast %parallel_loop3A_185 : i32 to index
        %parallel_loop3A_189 = tpu.vector_load %arg9[%parallel_loop3A_187, %parallel_loop3A_188] {strides = array<i32>} : memref<16x1024xf32, #tpu.memory_space<vmem>>, vector<1x16xf32>,
        %parallel_loop3A_190 = vector.shape_cast %parallel_loop3A_189 : vector<1x16xf32> to vector<16xf32>
        %parallel_loop3A_191 = vector.broadcast %squeeze3A : f32 to vector<16xf32>
        %parallel_loop3A_192 = arith.mulf %parallel_loop3A_191, %parallel_loop3A_190 : vector<16xf32>
        %parallel_loop3A_193 = arith.constant 1 : i32
        %parallel_loop3A_194 = arith.index_cast %parallel_loop3A_193 : i32 to index
        %parallel_loop3A_195 = arith.index_cast %parallel_loop3A_185 : i32 to index
        %parallel_loop3A_196 = tpu.vector_load %arg9[%parallel_loop3A_194, %parallel_loop3A_195] {strides = array<i32>} : memref<16x1024xf32, #tpu.memory_space<vmem>>, vector<1x16xf32>,
        %parallel_loop3A_197 = vector.shape_cast %parallel_loop3A_196 : vector<1x16xf32> to vector<16xf32>
        %parallel_loop3A_198 = vector.broadcast %squeeze3A_92 : f32 to vector<16xf32>
        %parallel_loop3A_199 = arith.mulf %parallel_loop3A_198, %parallel_loop3A_197 : vector<16xf32>
        %parallel_loop3A_200 = arith.addf %parallel_loop3A_192, %parallel_loop3A_199 : vector<16xf32>
        %parallel_loop3A_201 = arith.constant 2 : i32
        %parallel_loop3A_202 = arith.index_cast %parallel_loop3A_201 : i32 to index
        %parallel_loop3A_203 = arith.index_cast %parallel_loop3A_185 : i32 to index
        %parallel_loop3A_204 = tpu.vector_load %arg9[%parallel_loop3A_202, %parallel_loop3A_203] {strides = array<i32>} : memref<16x1024xf32, #tpu.memory_space<vmem>>, vector<1x16xf32>,
        %parallel_loop3A_205 = vector.shape_cast %parallel_loop3A_204 : vector<1x16xf32> to vector<16xf32>
        %parallel_loop3A_206 = vector.broadcast %squeeze3A_94 : f32 to vector<16xf32>
        %parallel_loop3A_207 = arith.mulf %parallel_loop3A_206, %parallel_loop3A_205 : vector<16xf32>
        %parallel_loop3A_208 = arith.addf %parallel_loop3A_200, %parallel_loop3A_207 : vector<16xf32>
        %parallel_loop3A_209 = arith.constant 3 : i32
        %parallel_loop3A_210 = arith.index_cast %parallel_loop3A_209 : i32 to index
        %parallel_loop3A_211 = arith.index_cast %parallel_loop3A_185 : i32 to index
        %parallel_loop3A_212 = tpu.vector_load %arg9[%parallel_loop3A_210, %parallel_loop3A_211] {strides = array<i32>} : memref<16x1024xf32, #tpu.memory_space<vmem>>, vector<1x16xf32>,
        %parallel_loop3A_213 = vector.shape_cast %parallel_loop3A_212 : vector<1x16xf32> to vector<16xf32>
        %parallel_loop3A_214 = vector.broadcast %squeeze3A_96 : f32 to vector<16xf32>
        %parallel_loop3A_215 = arith.mulf %parallel_loop3A_214, %parallel_loop3A_213 : vector<16xf32>
        %parallel_loop3A_216 = arith.addf %parallel_loop3A_208, %parallel_loop3A_215 : vector<16xf32>
        %parallel_loop3A_217 = arith.constant 4 : i32
        %parallel_loop3A_218 = arith.index_cast %parallel_loop3A_217 : i32 to index
        %parallel_loop3A_219 = arith.index_cast %parallel_loop3A_185 : i32 to index
        %parallel_loop3A_220 = tpu.vector_load %arg9[%parallel_loop3A_218, %parallel_loop3A_219] {strides = array<i32>} : memref<16x1024xf32, #tpu.memory_space<vmem>>, vector<1x16xf32>,
        %parallel_loop3A_221 = vector.shape_cast %parallel_loop3A_220 : vector<1x16xf32> to vector<16xf32>
        %parallel_loop3A_222 = vector.broadcast %squeeze3A_98 : f32 to vector<16xf32>
        %parallel_loop3A_223 = arith.mulf %parallel_loop3A_222, %parallel_loop3A_221 : vector<16xf32>
        %parallel_loop3A_224 = arith.constant 5 : i32
        %parallel_loop3A_225 = arith.index_cast %parallel_loop3A_224 : i32 to index
        %parallel_loop3A_226 = arith.index_cast %parallel_loop3A_185 : i32 to index
        %parallel_loop3A_227 = tpu.vector_load %arg9[%parallel_loop3A_225, %parallel_loop3A_226] {strides = array<i32>} : memref<16x1024xf32, #tpu.memory_space<vmem>>, vector<1x16xf32>,
        %parallel_loop3A_228 = vector.shape_cast %parallel_loop3A_227 : vector<1x16xf32> to vector<16xf32>
        %parallel_loop3A_229 = vector.broadcast %squeeze3A_100 : f32 to vector<16xf32>
        %parallel_loop3A_230 = arith.mulf %parallel_loop3A_229, %parallel_loop3A_228 : vector<16xf32>
        %parallel_loop3A_231 = arith.addf %parallel_loop3A_223, %parallel_loop3A_230 : vector<16xf32>
        %parallel_loop3A_232 = arith.constant 6 : i32
        %parallel_loop3A_233 = arith.index_cast %parallel_loop3A_232 : i32 to index
        %parallel_loop3A_234 = arith.index_cast %parallel_loop3A_185 : i32 to index
        %parallel_loop3A_235 = tpu.vector_load %arg9[%parallel_loop3A_233, %parallel_loop3A_234] {strides = array<i32>} : memref<16x1024xf32, #tpu.memory_space<vmem>>, vector<1x16xf32>,
        %parallel_loop3A_236 = vector.shape_cast %parallel_loop3A_235 : vector<1x16xf32> to vector<16xf32>
        %parallel_loop3A_237 = vector.broadcast %squeeze3A_102 : f32 to vector<16xf32>
        %parallel_loop3A_238 = arith.mulf %parallel_loop3A_237, %parallel_loop3A_236 : vector<16xf32>
        %parallel_loop3A_239 = arith.addf %parallel_loop3A_231, %parallel_loop3A_238 : vector<16xf32>
        %parallel_loop3A_240 = arith.constant 7 : i32
        %parallel_loop3A_241 = arith.index_cast %parallel_loop3A_240 : i32 to index
        %parallel_loop3A_242 = arith.index_cast %parallel_loop3A_185 : i32 to index
        %parallel_loop3A_243 = tpu.vector_load %arg9[%parallel_loop3A_241, %parallel_loop3A_242] {strides = array<i32>} : memref<16x1024xf32, #tpu.memory_space<vmem>>, vector<1x16xf32>,
        %parallel_loop3A_244 = vector.shape_cast %parallel_loop3A_243 : vector<1x16xf32> to vector<16xf32>
        %parallel_loop3A_245 = vector.broadcast %squeeze3A_104 : f32 to vector<16xf32>
        %parallel_loop3A_246 = arith.mulf %parallel_loop3A_245, %parallel_loop3A_244 : vector<16xf32>
        %parallel_loop3A_247 = arith.addf %parallel_loop3A_239, %parallel_loop3A_246 : vector<16xf32>
        %parallel_loop3A_248 = arith.constant 8 : i32
        %parallel_loop3A_249 = arith.index_cast %parallel_loop3A_248 : i32 to index
        %parallel_loop3A_250 = arith.index_cast %parallel_loop3A_185 : i32 to index
        %parallel_loop3A_251 = tpu.vector_load %arg9[%parallel_loop3A_249, %parallel_loop3A_250] {strides = array<i32>} : memref<16x1024xf32, #tpu.memory_space<vmem>>, vector<1x16xf32>,
        %parallel_loop3A_252 = vector.shape_cast %parallel_loop3A_251 : vector<1x16xf32> to vector<16xf32>
        %parallel_loop3A_253 = vector.broadcast %squeeze3A_106 : f32 to vector<16xf32>
        %parallel_loop3A_254 = arith.mulf %parallel_loop3A_253, %parallel_loop3A_252 : vector<16xf32>
        %parallel_loop3A_255 = arith.constant 9 : i32
        %parallel_loop3A_256 = arith.index_cast %parallel_loop3A_255 : i32 to index
        %parallel_loop3A_257 = arith.index_cast %parallel_loop3A_185 : i32 to index
        %parallel_loop3A_258 = tpu.vector_load %arg9[%parallel_loop3A_256, %parallel_loop3A_257] {strides = array<i32>} : memref<16x1024xf32, #tpu.memory_space<vmem>>, vector<1x16xf32>,
        %parallel_loop3A_259 = vector.shape_cast %parallel_loop3A_258 : vector<1x16xf32> to vector<16xf32>
        %parallel_loop3A_260 = vector.broadcast %squeeze3A_108 : f32 to vector<16xf32>
        %parallel_loop3A_261 = arith.mulf %parallel_loop3A_260, %parallel_loop3A_259 : vector<16xf32>
        %parallel_loop3A_262 = arith.addf %parallel_loop3A_254, %parallel_loop3A_261 : vector<16xf32>
        %parallel_loop3A_263 = arith.constant 10 : i32
        %parallel_loop3A_264 = arith.index_cast %parallel_loop3A_263 : i32 to index
        %parallel_loop3A_265 = arith.index_cast %parallel_loop3A_185 : i32 to index
        %parallel_loop3A_266 = tpu.vector_load %arg9[%parallel_loop3A_264, %parallel_loop3A_265] {strides = array<i32>} : memref<16x1024xf32, #tpu.memory_space<vmem>>, vector<1x16xf32>,
        %parallel_loop3A_267 = vector.shape_cast %parallel_loop3A_266 : vector<1x16xf32> to vector<16xf32>
        %parallel_loop3A_268 = vector.broadcast %squeeze3A_110 : f32 to vector<16xf32>
        %parallel_loop3A_269 = arith.mulf %parallel_loop3A_268, %parallel_loop3A_267 : vector<16xf32>
        %parallel_loop3A_270 = arith.addf %parallel_loop3A_262, %parallel_loop3A_269 : vector<16xf32>
        %parallel_loop3A_271 = arith.constant 11 : i32
        %parallel_loop3A_272 = arith.index_cast %parallel_loop3A_271 : i32 to index
        %parallel_loop3A_273 = arith.index_cast %parallel_loop3A_185 : i32 to index
        %parallel_loop3A_274 = tpu.vector_load %arg9[%parallel_loop3A_272, %parallel_loop3A_273] {strides = array<i32>} : memref<16x1024xf32, #tpu.memory_space<vmem>>, vector<1x16xf32>,
        %parallel_loop3A_275 = vector.shape_cast %parallel_loop3A_274 : vector<1x16xf32> to vector<16xf32>
        %parallel_loop3A_276 = vector.broadcast %squeeze3A_112 : f32 to vector<16xf32>
        %parallel_loop3A_277 = arith.mulf %parallel_loop3A_276, %parallel_loop3A_275 : vector<16xf32>
        %parallel_loop3A_278 = arith.addf %parallel_loop3A_270, %parallel_loop3A_277 : vector<16xf32>
        %parallel_loop3A_279 = arith.constant 12 : i32
        %parallel_loop3A_280 = arith.index_cast %parallel_loop3A_279 : i32 to index
        %parallel_loop3A_281 = arith.index_cast %parallel_loop3A_185 : i32 to index
        %parallel_loop3A_282 = tpu.vector_load %arg9[%parallel_loop3A_280, %parallel_loop3A_281] {strides = array<i32>} : memref<16x1024xf32, #tpu.memory_space<vmem>>, vector<1x16xf32>,
        %parallel_loop3A_283 = vector.shape_cast %parallel_loop3A_282 : vector<1x16xf32> to vector<16xf32>
        %parallel_loop3A_284 = vector.broadcast %squeeze3A_114 : f32 to vector<16xf32>
        %parallel_loop3A_285 = arith.mulf %parallel_loop3A_284, %parallel_loop3A_283 : vector<16xf32>
        %parallel_loop3A_286 = arith.constant 13 : i32
        %parallel_loop3A_287 = arith.index_cast %parallel_loop3A_286 : i32 to index
        %parallel_loop3A_288 = arith.index_cast %parallel_loop3A_185 : i32 to index
        %parallel_loop3A_289 = tpu.vector_load %arg9[%parallel_loop3A_287, %parallel_loop3A_288] {strides = array<i32>} : memref<16x1024xf32, #tpu.memory_space<vmem>>, vector<1x16xf32>,
        %parallel_loop3A_290 = vector.shape_cast %parallel_loop3A_289 : vector<1x16xf32> to vector<16xf32>
        %parallel_loop3A_291 = vector.broadcast %squeeze3A_116 : f32 to vector<16xf32>
        %parallel_loop3A_292 = arith.mulf %parallel_loop3A_291, %parallel_loop3A_290 : vector<16xf32>
        %parallel_loop3A_293 = arith.addf %parallel_loop3A_285, %parallel_loop3A_292 : vector<16xf32>
        %parallel_loop3A_294 = arith.constant 14 : i32
        %parallel_loop3A_295 = arith.index_cast %parallel_loop3A_294 : i32 to index
        %parallel_loop3A_296 = arith.index_cast %parallel_loop3A_185 : i32 to index
        %parallel_loop3A_297 = tpu.vector_load %arg9[%parallel_loop3A_295, %parallel_loop3A_296] {strides = array<i32>} : memref<16x1024xf32, #tpu.memory_space<vmem>>, vector<1x16xf32>,
        %parallel_loop3A_298 = vector.shape_cast %parallel_loop3A_297 : vector<1x16xf32> to vector<16xf32>
        %parallel_loop3A_299 = vector.broadcast %squeeze3A_118 : f32 to vector<16xf32>
        %parallel_loop3A_300 = arith.mulf %parallel_loop3A_299, %parallel_loop3A_298 : vector<16xf32>
        %parallel_loop3A_301 = arith.addf %parallel_loop3A_293, %parallel_loop3A_300 : vector<16xf32>
        %parallel_loop3A_302 = arith.constant 15 : i32
        %parallel_loop3A_303 = arith.index_cast %parallel_loop3A_302 : i32 to index
        %parallel_loop3A_304 = arith.index_cast %parallel_loop3A_185 : i32 to index
        %parallel_loop3A_305 = tpu.vector_load %arg9[%parallel_loop3A_303, %parallel_loop3A_304] {strides = array<i32>} : memref<16x1024xf32, #tpu.memory_space<vmem>>, vector<1x16xf32>,
        %parallel_loop3A_306 = vector.shape_cast %parallel_loop3A_305 : vector<1x16xf32> to vector<16xf32>
        %parallel_loop3A_307 = vector.broadcast %squeeze3A_120 : f32 to vector<16xf32>
        %parallel_loop3A_308 = arith.mulf %parallel_loop3A_307, %parallel_loop3A_306 : vector<16xf32>
        %parallel_loop3A_309 = arith.addf %parallel_loop3A_301, %parallel_loop3A_308 : vector<16xf32>
        %parallel_loop3A_310 = arith.addf %parallel_loop3A_216, %parallel_loop3A_247 : vector<16xf32>
        %parallel_loop3A_311 = arith.addf %parallel_loop3A_278, %parallel_loop3A_309 : vector<16xf32>
        %parallel_loop3A_312 = arith.addf %parallel_loop3A_310, %parallel_loop3A_311 : vector<16xf32>
        %parallel_loop3A_313 = arith.index_cast %parallel_loop3A_185 : i32 to index
        %parallel_loop3A_314 = tpu.vector_load %arg8[%parallel_loop3A_313] {strides = array<i32>} : memref<1024xf32, #tpu.memory_space<vmem>>, vector<16xf32>,
        %parallel_loop3A_315 = vector.shape_cast %parallel_loop3A_314 : vector<16xf32> to vector<16xf32>
        %parallel_loop3A_316 = vector.shape_cast %parallel_loop3A_312 : vector<16xf32> to vector<16xf32>
        tpu.vector_store %arg8[%parallel_loop3A_313], %parallel_loop3A_316 {add = true, strides = array<i32>} : memref<1024xf32, #tpu.memory_space<vmem>>, vector<16xf32>,
      } {sc.loop_unroll_factor = 4 : i64, sc.parallel_access}
      %add3A_123 = arith.constant 2 : i32
      %add3A_124 = arith.addi %add3A_82, %add3A_123 : i32
      %lt3A = arith.constant 64 : i32
      %lt3A_125 = arith.cmpi slt, %add3A_124, %lt3A : i32
      %convert_element_type3A = arith.extui %lt3A_125 : i1 to i32
      %cond3A = arith.constant 0 : i32
      %cond3A_126 = arith.cmpi ne, %convert_element_type3A, %cond3A : i32
      scf.if %cond3A_126 {
        %add3A_183 = arith.constant 2 : i32
        %add3A_184 = arith.addi %add3A_82, %add3A_183 : i32
        %mul3A_185 = arith.constant 16 : i32
        %mul3A_186 = arith.muli %add3A_184, %mul3A_185 : i32
        %dma_start3A_187 = tpu.memref_slice %arg3[%mul3A_186, %add3A_46] : memref<1024x100000xf32, #tpu.memory_space<hbm>> -> memref<16x1024xf32, #tpu.memory_space<hbm>>
        %dma_start3A_188 = tpu.memref_slice %arg3[%mul3A_186, %add3A_46] : memref<1024x100000xf32, #tpu.memory_space<hbm>> -> memref<16x1024xf32, #tpu.memory_space<hbm>>
        tpu.enqueue_dma source(%dma_start3A_188 : memref<16x1024xf32, #tpu.memory_space<hbm>>) target(%arg9 : memref<16x1024xf32, #tpu.memory_space<vmem>>) target_semaphore(%arg13 : memref<!tpu.dma_semaphore, #tpu.memory_space<semaphore_mem>>)
      } else {
      }
      %mul3A_127 = arith.constant 2 : i32
      %mul3A_128 = arith.muli %mul3A_127, %scan3A_77 : i32
      %add3A_129 = arith.constant 1 : i32
      %add3A_130 = arith.addi %mul3A_128, %add3A_129 : i32
      %mul3A_131 = arith.constant 16 : i32
      %mul3A_132 = arith.muli %add3A_130, %mul3A_131 : i32
      %dma_wait3A_133 = tpu.memref_slice %arg3[%mul3A_132, %add3A_46] : memref<1024x100000xf32, #tpu.memory_space<hbm>> -> memref<16x1024xf32, #tpu.memory_space<hbm>>
      %dma_wait3A_134 = tpu.memref_slice %arg3[%mul3A_132, %add3A_46] : memref<1024x100000xf32, #tpu.memory_space<hbm>> -> memref<16x1024xf32, #tpu.memory_space<hbm>>
      tpu.wait_dma2 semaphore(%arg14 : memref<!tpu.dma_semaphore, #tpu.memory_space<semaphore_mem>>) src(%dma_wait3A_134 : memref<16x1024xf32, #tpu.memory_space<hbm>>) dst(%arg10 : memref<16x1024xf32, #tpu.memory_space<vmem>>)
      %mul3A_135 = arith.constant 16 : i32
      %mul3A_136 = arith.muli %add3A_130, %mul3A_135 : i32
      %get3A_137 = arith.index_cast %mul3A_136 : i32 to index
      %get3A_138 = tpu.vector_load %arg7[%get3A_137] {strides = array<i32>} : memref<1024xf32, #tpu.memory_space<vmem>>, vector<16xf32>,
      %get3A_139 = vector.shape_cast %get3A_138 : vector<16xf32> to vector<16xf32>
      %slice3A_140 = vector.extract_strided_slice %get3A_139 {offsets = [0], sizes = [1], strides = [1]} : vector<16xf32> to vector<1xf32>
      %squeeze3A_141 = vector.extract %slice3A_140[0] : f32 from vector<1xf32>
      %slice3A_142 = vector.extract_strided_slice %get3A_139 {offsets = [1], sizes = [1], strides = [1]} : vector<16xf32> to vector<1xf32>
      %squeeze3A_143 = vector.extract %slice3A_142[0] : f32 from vector<1xf32>
      %slice3A_144 = vector.extract_strided_slice %get3A_139 {offsets = [2], sizes = [1], strides = [1]} : vector<16xf32> to vector<1xf32>
      %squeeze3A_145 = vector.extract %slice3A_144[0] : f32 from vector<1xf32>
      %slice3A_146 = vector.extract_strided_slice %get3A_139 {offsets = [3], sizes = [1], strides = [1]} : vector<16xf32> to vector<1xf32>
      %squeeze3A_147 = vector.extract %slice3A_146[0] : f32 from vector<1xf32>
      %slice3A_148 = vector.extract_strided_slice %get3A_139 {offsets = [4], sizes = [1], strides = [1]} : vector<16xf32> to vector<1xf32>
      %squeeze3A_149 = vector.extract %slice3A_148[0] : f32 from vector<1xf32>
      %slice3A_150 = vector.extract_strided_slice %get3A_139 {offsets = [5], sizes = [1], strides = [1]} : vector<16xf32> to vector<1xf32>
      %squeeze3A_151 = vector.extract %slice3A_150[0] : f32 from vector<1xf32>
      %slice3A_152 = vector.extract_strided_slice %get3A_139 {offsets = [6], sizes = [1], strides = [1]} : vector<16xf32> to vector<1xf32>
      %squeeze3A_153 = vector.extract %slice3A_152[0] : f32 from vector<1xf32>
      %slice3A_154 = vector.extract_strided_slice %get3A_139 {offsets = [7], sizes = [1], strides = [1]} : vector<16xf32> to vector<1xf32>
      %squeeze3A_155 = vector.extract %slice3A_154[0] : f32 from vector<1xf32>
      %slice3A_156 = vector.extract_strided_slice %get3A_139 {offsets = [8], sizes = [1], strides = [1]} : vector<16xf32> to vector<1xf32>
      %squeeze3A_157 = vector.extract %slice3A_156[0] : f32 from vector<1xf32>
      %slice3A_158 = vector.extract_strided_slice %get3A_139 {offsets = [9], sizes = [1], strides = [1]} : vector<16xf32> to vector<1xf32>
      %squeeze3A_159 = vector.extract %slice3A_158[0] : f32 from vector<1xf32>
      %slice3A_160 = vector.extract_strided_slice %get3A_139 {offsets = [10], sizes = [1], strides = [1]} : vector<16xf32> to vector<1xf32>
      %squeeze3A_161 = vector.extract %slice3A_160[0] : f32 from vector<1xf32>
      %slice3A_162 = vector.extract_strided_slice %get3A_139 {offsets = [11], sizes = [1], strides = [1]} : vector<16xf32> to vector<1xf32>
      %squeeze3A_163 = vector.extract %slice3A_162[0] : f32 from vector<1xf32>
      %slice3A_164 = vector.extract_strided_slice %get3A_139 {offsets = [12], sizes = [1], strides = [1]} : vector<16xf32> to vector<1xf32>
      %squeeze3A_165 = vector.extract %slice3A_164[0] : f32 from vector<1xf32>
      %slice3A_166 = vector.extract_strided_slice %get3A_139 {offsets = [13], sizes = [1], strides = [1]} : vector<16xf32> to vector<1xf32>
      %squeeze3A_167 = vector.extract %slice3A_166[0] : f32 from vector<1xf32>
      %slice3A_168 = vector.extract_strided_slice %get3A_139 {offsets = [14], sizes = [1], strides = [1]} : vector<16xf32> to vector<1xf32>
      %squeeze3A_169 = vector.extract %slice3A_168[0] : f32 from vector<1xf32>
      %slice3A_170 = vector.extract_strided_slice %get3A_139 {offsets = [15], sizes = [1], strides = [1]} : vector<16xf32> to vector<1xf32>
      %squeeze3A_171 = vector.extract %slice3A_170[0] : f32 from vector<1xf32>
      %parallel_loop3A_172 = arith.constant 0 : i32
      %parallel_loop3A_173 = arith.constant 64 : i32
      %parallel_loop3A_174 = arith.constant 1 : i32
      scf.for %parallel_loop3A_183 = %parallel_loop3A_172 to %parallel_loop3A_173 step %parallel_loop3A_174  : i32 {
        %parallel_loop3A_184 = arith.constant 16 : i32
        %parallel_loop3A_185 = arith.muli %parallel_loop3A_183, %parallel_loop3A_184 : i32
        %parallel_loop3A_186 = arith.constant 0 : i32
        %parallel_loop3A_187 = arith.index_cast %parallel_loop3A_186 : i32 to index
        %parallel_loop3A_188 = arith.index_cast %parallel_loop3A_185 : i32 to index
        %parallel_loop3A_189 = tpu.vector_load %arg10[%parallel_loop3A_187, %parallel_loop3A_188] {strides = array<i32>} : memref<16x1024xf32, #tpu.memory_space<vmem>>, vector<1x16xf32>,
        %parallel_loop3A_190 = vector.shape_cast %parallel_loop3A_189 : vector<1x16xf32> to vector<16xf32>
        %parallel_loop3A_191 = vector.broadcast %squeeze3A_141 : f32 to vector<16xf32>
        %parallel_loop3A_192 = arith.mulf %parallel_loop3A_191, %parallel_loop3A_190 : vector<16xf32>
        %parallel_loop3A_193 = arith.constant 1 : i32
        %parallel_loop3A_194 = arith.index_cast %parallel_loop3A_193 : i32 to index
        %parallel_loop3A_195 = arith.index_cast %parallel_loop3A_185 : i32 to index
        %parallel_loop3A_196 = tpu.vector_load %arg10[%parallel_loop3A_194, %parallel_loop3A_195] {strides = array<i32>} : memref<16x1024xf32, #tpu.memory_space<vmem>>, vector<1x16xf32>,
        %parallel_loop3A_197 = vector.shape_cast %parallel_loop3A_196 : vector<1x16xf32> to vector<16xf32>
        %parallel_loop3A_198 = vector.broadcast %squeeze3A_143 : f32 to vector<16xf32>
        %parallel_loop3A_199 = arith.mulf %parallel_loop3A_198, %parallel_loop3A_197 : vector<16xf32>
        %parallel_loop3A_200 = arith.addf %parallel_loop3A_192, %parallel_loop3A_199 : vector<16xf32>
        %parallel_loop3A_201 = arith.constant 2 : i32
        %parallel_loop3A_202 = arith.index_cast %parallel_loop3A_201 : i32 to index
        %parallel_loop3A_203 = arith.index_cast %parallel_loop3A_185 : i32 to index
        %parallel_loop3A_204 = tpu.vector_load %arg10[%parallel_loop3A_202, %parallel_loop3A_203] {strides = array<i32>} : memref<16x1024xf32, #tpu.memory_space<vmem>>, vector<1x16xf32>,
        %parallel_loop3A_205 = vector.shape_cast %parallel_loop3A_204 : vector<1x16xf32> to vector<16xf32>
        %parallel_loop3A_206 = vector.broadcast %squeeze3A_145 : f32 to vector<16xf32>
        %parallel_loop3A_207 = arith.mulf %parallel_loop3A_206, %parallel_loop3A_205 : vector<16xf32>
        %parallel_loop3A_208 = arith.addf %parallel_loop3A_200, %parallel_loop3A_207 : vector<16xf32>
        %parallel_loop3A_209 = arith.constant 3 : i32
        %parallel_loop3A_210 = arith.index_cast %parallel_loop3A_209 : i32 to index
        %parallel_loop3A_211 = arith.index_cast %parallel_loop3A_185 : i32 to index
        %parallel_loop3A_212 = tpu.vector_load %arg10[%parallel_loop3A_210, %parallel_loop3A_211] {strides = array<i32>} : memref<16x1024xf32, #tpu.memory_space<vmem>>, vector<1x16xf32>,
        %parallel_loop3A_213 = vector.shape_cast %parallel_loop3A_212 : vector<1x16xf32> to vector<16xf32>
        %parallel_loop3A_214 = vector.broadcast %squeeze3A_147 : f32 to vector<16xf32>
        %parallel_loop3A_215 = arith.mulf %parallel_loop3A_214, %parallel_loop3A_213 : vector<16xf32>
        %parallel_loop3A_216 = arith.addf %parallel_loop3A_208, %parallel_loop3A_215 : vector<16xf32>
        %parallel_loop3A_217 = arith.constant 4 : i32
        %parallel_loop3A_218 = arith.index_cast %parallel_loop3A_217 : i32 to index
        %parallel_loop3A_219 = arith.index_cast %parallel_loop3A_185 : i32 to index
        %parallel_loop3A_220 = tpu.vector_load %arg10[%parallel_loop3A_218, %parallel_loop3A_219] {strides = array<i32>} : memref<16x1024xf32, #tpu.memory_space<vmem>>, vector<1x16xf32>,
        %parallel_loop3A_221 = vector.shape_cast %parallel_loop3A_220 : vector<1x16xf32> to vector<16xf32>
        %parallel_loop3A_222 = vector.broadcast %squeeze3A_149 : f32 to vector<16xf32>
        %parallel_loop3A_223 = arith.mulf %parallel_loop3A_222, %parallel_loop3A_221 : vector<16xf32>
        %parallel_loop3A_224 = arith.constant 5 : i32
        %parallel_loop3A_225 = arith.index_cast %parallel_loop3A_224 : i32 to index
        %parallel_loop3A_226 = arith.index_cast %parallel_loop3A_185 : i32 to index
        %parallel_loop3A_227 = tpu.vector_load %arg10[%parallel_loop3A_225, %parallel_loop3A_226] {strides = array<i32>} : memref<16x1024xf32, #tpu.memory_space<vmem>>, vector<1x16xf32>,
        %parallel_loop3A_228 = vector.shape_cast %parallel_loop3A_227 : vector<1x16xf32> to vector<16xf32>
        %parallel_loop3A_229 = vector.broadcast %squeeze3A_151 : f32 to vector<16xf32>
        %parallel_loop3A_230 = arith.mulf %parallel_loop3A_229, %parallel_loop3A_228 : vector<16xf32>
        %parallel_loop3A_231 = arith.addf %parallel_loop3A_223, %parallel_loop3A_230 : vector<16xf32>
        %parallel_loop3A_232 = arith.constant 6 : i32
        %parallel_loop3A_233 = arith.index_cast %parallel_loop3A_232 : i32 to index
        %parallel_loop3A_234 = arith.index_cast %parallel_loop3A_185 : i32 to index
        %parallel_loop3A_235 = tpu.vector_load %arg10[%parallel_loop3A_233, %parallel_loop3A_234] {strides = array<i32>} : memref<16x1024xf32, #tpu.memory_space<vmem>>, vector<1x16xf32>,
        %parallel_loop3A_236 = vector.shape_cast %parallel_loop3A_235 : vector<1x16xf32> to vector<16xf32>
        %parallel_loop3A_237 = vector.broadcast %squeeze3A_153 : f32 to vector<16xf32>
        %parallel_loop3A_238 = arith.mulf %parallel_loop3A_237, %parallel_loop3A_236 : vector<16xf32>
        %parallel_loop3A_239 = arith.addf %parallel_loop3A_231, %parallel_loop3A_238 : vector<16xf32>
        %parallel_loop3A_240 = arith.constant 7 : i32
        %parallel_loop3A_241 = arith.index_cast %parallel_loop3A_240 : i32 to index
        %parallel_loop3A_242 = arith.index_cast %parallel_loop3A_185 : i32 to index
        %parallel_loop3A_243 = tpu.vector_load %arg10[%parallel_loop3A_241, %parallel_loop3A_242] {strides = array<i32>} : memref<16x1024xf32, #tpu.memory_space<vmem>>, vector<1x16xf32>,
        %parallel_loop3A_244 = vector.shape_cast %parallel_loop3A_243 : vector<1x16xf32> to vector<16xf32>
        %parallel_loop3A_245 = vector.broadcast %squeeze3A_155 : f32 to vector<16xf32>
        %parallel_loop3A_246 = arith.mulf %parallel_loop3A_245, %parallel_loop3A_244 : vector<16xf32>
        %parallel_loop3A_247 = arith.addf %parallel_loop3A_239, %parallel_loop3A_246 : vector<16xf32>
        %parallel_loop3A_248 = arith.constant 8 : i32
        %parallel_loop3A_249 = arith.index_cast %parallel_loop3A_248 : i32 to index
        %parallel_loop3A_250 = arith.index_cast %parallel_loop3A_185 : i32 to index
        %parallel_loop3A_251 = tpu.vector_load %arg10[%parallel_loop3A_249, %parallel_loop3A_250] {strides = array<i32>} : memref<16x1024xf32, #tpu.memory_space<vmem>>, vector<1x16xf32>,
        %parallel_loop3A_252 = vector.shape_cast %parallel_loop3A_251 : vector<1x16xf32> to vector<16xf32>
        %parallel_loop3A_253 = vector.broadcast %squeeze3A_157 : f32 to vector<16xf32>
        %parallel_loop3A_254 = arith.mulf %parallel_loop3A_253, %parallel_loop3A_252 : vector<16xf32>
        %parallel_loop3A_255 = arith.constant 9 : i32
        %parallel_loop3A_256 = arith.index_cast %parallel_loop3A_255 : i32 to index
        %parallel_loop3A_257 = arith.index_cast %parallel_loop3A_185 : i32 to index
        %parallel_loop3A_258 = tpu.vector_load %arg10[%parallel_loop3A_256, %parallel_loop3A_257] {strides = array<i32>} : memref<16x1024xf32, #tpu.memory_space<vmem>>, vector<1x16xf32>,
        %parallel_loop3A_259 = vector.shape_cast %parallel_loop3A_258 : vector<1x16xf32> to vector<16xf32>
        %parallel_loop3A_260 = vector.broadcast %squeeze3A_159 : f32 to vector<16xf32>
        %parallel_loop3A_261 = arith.mulf %parallel_loop3A_260, %parallel_loop3A_259 : vector<16xf32>
        %parallel_loop3A_262 = arith.addf %parallel_loop3A_254, %parallel_loop3A_261 : vector<16xf32>
        %parallel_loop3A_263 = arith.constant 10 : i32
        %parallel_loop3A_264 = arith.index_cast %parallel_loop3A_263 : i32 to index
        %parallel_loop3A_265 = arith.index_cast %parallel_loop3A_185 : i32 to index
        %parallel_loop3A_266 = tpu.vector_load %arg10[%parallel_loop3A_264, %parallel_loop3A_265] {strides = array<i32>} : memref<16x1024xf32, #tpu.memory_space<vmem>>, vector<1x16xf32>,
        %parallel_loop3A_267 = vector.shape_cast %parallel_loop3A_266 : vector<1x16xf32> to vector<16xf32>
        %parallel_loop3A_268 = vector.broadcast %squeeze3A_161 : f32 to vector<16xf32>
        %parallel_loop3A_269 = arith.mulf %parallel_loop3A_268, %parallel_loop3A_267 : vector<16xf32>
        %parallel_loop3A_270 = arith.addf %parallel_loop3A_262, %parallel_loop3A_269 : vector<16xf32>
        %parallel_loop3A_271 = arith.constant 11 : i32
        %parallel_loop3A_272 = arith.index_cast %parallel_loop3A_271 : i32 to index
        %parallel_loop3A_273 = arith.index_cast %parallel_loop3A_185 : i32 to index
        %parallel_loop3A_274 = tpu.vector_load %arg10[%parallel_loop3A_272, %parallel_loop3A_273] {strides = array<i32>} : memref<16x1024xf32, #tpu.memory_space<vmem>>, vector<1x16xf32>,
        %parallel_loop3A_275 = vector.shape_cast %parallel_loop3A_274 : vector<1x16xf32> to vector<16xf32>
        %parallel_loop3A_276 = vector.broadcast %squeeze3A_163 : f32 to vector<16xf32>
        %parallel_loop3A_277 = arith.mulf %parallel_loop3A_276, %parallel_loop3A_275 : vector<16xf32>
        %parallel_loop3A_278 = arith.addf %parallel_loop3A_270, %parallel_loop3A_277 : vector<16xf32>
        %parallel_loop3A_279 = arith.constant 12 : i32
        %parallel_loop3A_280 = arith.index_cast %parallel_loop3A_279 : i32 to index
        %parallel_loop3A_281 = arith.index_cast %parallel_loop3A_185 : i32 to index
        %parallel_loop3A_282 = tpu.vector_load %arg10[%parallel_loop3A_280, %parallel_loop3A_281] {strides = array<i32>} : memref<16x1024xf32, #tpu.memory_space<vmem>>, vector<1x16xf32>,
        %parallel_loop3A_283 = vector.shape_cast %parallel_loop3A_282 : vector<1x16xf32> to vector<16xf32>
        %parallel_loop3A_284 = vector.broadcast %squeeze3A_165 : f32 to vector<16xf32>
        %parallel_loop3A_285 = arith.mulf %parallel_loop3A_284, %parallel_loop3A_283 : vector<16xf32>
        %parallel_loop3A_286 = arith.constant 13 : i32
        %parallel_loop3A_287 = arith.index_cast %parallel_loop3A_286 : i32 to index
        %parallel_loop3A_288 = arith.index_cast %parallel_loop3A_185 : i32 to index
        %parallel_loop3A_289 = tpu.vector_load %arg10[%parallel_loop3A_287, %parallel_loop3A_288] {strides = array<i32>} : memref<16x1024xf32, #tpu.memory_space<vmem>>, vector<1x16xf32>,
        %parallel_loop3A_290 = vector.shape_cast %parallel_loop3A_289 : vector<1x16xf32> to vector<16xf32>
        %parallel_loop3A_291 = vector.broadcast %squeeze3A_167 : f32 to vector<16xf32>
        %parallel_loop3A_292 = arith.mulf %parallel_loop3A_291, %parallel_loop3A_290 : vector<16xf32>
        %parallel_loop3A_293 = arith.addf %parallel_loop3A_285, %parallel_loop3A_292 : vector<16xf32>
        %parallel_loop3A_294 = arith.constant 14 : i32
        %parallel_loop3A_295 = arith.index_cast %parallel_loop3A_294 : i32 to index
        %parallel_loop3A_296 = arith.index_cast %parallel_loop3A_185 : i32 to index
        %parallel_loop3A_297 = tpu.vector_load %arg10[%parallel_loop3A_295, %parallel_loop3A_296] {strides = array<i32>} : memref<16x1024xf32, #tpu.memory_space<vmem>>, vector<1x16xf32>,
        %parallel_loop3A_298 = vector.shape_cast %parallel_loop3A_297 : vector<1x16xf32> to vector<16xf32>
        %parallel_loop3A_299 = vector.broadcast %squeeze3A_169 : f32 to vector<16xf32>
        %parallel_loop3A_300 = arith.mulf %parallel_loop3A_299, %parallel_loop3A_298 : vector<16xf32>
        %parallel_loop3A_301 = arith.addf %parallel_loop3A_293, %parallel_loop3A_300 : vector<16xf32>
        %parallel_loop3A_302 = arith.constant 15 : i32
        %parallel_loop3A_303 = arith.index_cast %parallel_loop3A_302 : i32 to index
        %parallel_loop3A_304 = arith.index_cast %parallel_loop3A_185 : i32 to index
        %parallel_loop3A_305 = tpu.vector_load %arg10[%parallel_loop3A_303, %parallel_loop3A_304] {strides = array<i32>} : memref<16x1024xf32, #tpu.memory_space<vmem>>, vector<1x16xf32>,
        %parallel_loop3A_306 = vector.shape_cast %parallel_loop3A_305 : vector<1x16xf32> to vector<16xf32>
        %parallel_loop3A_307 = vector.broadcast %squeeze3A_171 : f32 to vector<16xf32>
        %parallel_loop3A_308 = arith.mulf %parallel_loop3A_307, %parallel_loop3A_306 : vector<16xf32>
        %parallel_loop3A_309 = arith.addf %parallel_loop3A_301, %parallel_loop3A_308 : vector<16xf32>
        %parallel_loop3A_310 = arith.addf %parallel_loop3A_216, %parallel_loop3A_247 : vector<16xf32>
        %parallel_loop3A_311 = arith.addf %parallel_loop3A_278, %parallel_loop3A_309 : vector<16xf32>
        %parallel_loop3A_312 = arith.addf %parallel_loop3A_310, %parallel_loop3A_311 : vector<16xf32>
        %parallel_loop3A_313 = arith.index_cast %parallel_loop3A_185 : i32 to index
        %parallel_loop3A_314 = tpu.vector_load %arg8[%parallel_loop3A_313] {strides = array<i32>} : memref<1024xf32, #tpu.memory_space<vmem>>, vector<16xf32>,
        %parallel_loop3A_315 = vector.shape_cast %parallel_loop3A_314 : vector<16xf32> to vector<16xf32>
        %parallel_loop3A_316 = vector.shape_cast %parallel_loop3A_312 : vector<16xf32> to vector<16xf32>
        tpu.vector_store %arg8[%parallel_loop3A_313], %parallel_loop3A_316 {add = true, strides = array<i32>} : memref<1024xf32, #tpu.memory_space<vmem>>, vector<16xf32>,
      } {sc.loop_unroll_factor = 4 : i64, sc.parallel_access}
      %add3A_175 = arith.constant 2 : i32
      %add3A_176 = arith.addi %add3A_130, %add3A_175 : i32
      %lt3A_177 = arith.constant 64 : i32
      %lt3A_178 = arith.cmpi slt, %add3A_176, %lt3A_177 : i32
      %convert_element_type3A_179 = arith.extui %lt3A_178 : i1 to i32
      %cond3A_180 = arith.constant 0 : i32
      %cond3A_181 = arith.cmpi ne, %convert_element_type3A_179, %cond3A_180 : i32
      scf.if %cond3A_181 {
        %add3A_183 = arith.constant 2 : i32
        %add3A_184 = arith.addi %add3A_130, %add3A_183 : i32
        %mul3A_185 = arith.constant 16 : i32
        %mul3A_186 = arith.muli %add3A_184, %mul3A_185 : i32
        %dma_start3A_187 = tpu.memref_slice %arg3[%mul3A_186, %add3A_46] : memref<1024x100000xf32, #tpu.memory_space<hbm>> -> memref<16x1024xf32, #tpu.memory_space<hbm>>
        %dma_start3A_188 = tpu.memref_slice %arg3[%mul3A_186, %add3A_46] : memref<1024x100000xf32, #tpu.memory_space<hbm>> -> memref<16x1024xf32, #tpu.memory_space<hbm>>
        tpu.enqueue_dma source(%dma_start3A_188 : memref<16x1024xf32, #tpu.memory_space<hbm>>) target(%arg10 : memref<16x1024xf32, #tpu.memory_space<vmem>>) target_semaphore(%arg14 : memref<!tpu.dma_semaphore, #tpu.memory_space<semaphore_mem>>)
      } else {
      }
      %scan3A_182 = arith.constant 0 : i32
      scf.yield %scan3A_182 : i32
    }
    %scan3A_59 = arith.constant 32 : i32
    %get3A = arith.constant 0 : index
    %get3A_60 = tpu.vector_load %arg8[%get3A] {strides = array<i32>} : memref<1024xf32, #tpu.memory_space<vmem>>, vector<16xf32>,
    %get3A_61 = vector.shape_cast %get3A_60 : vector<16xf32> to vector<16xf32>
    %iota3A = tpu.iota {dimensions = array<i32: 0>} : vector<16xi32>
    %add3A_62 = vector.broadcast %add3A_46 : i32 to vector<16xi32>
    %add3A_63 = arith.addi %add3A_62, %iota3A : vector<16xi32>
    %scan3A_64 = arith.constant 1 : i32
    %scan3A_65 = arith.constant 63 : i32
    %scan3A_66 = arith.addi %scan3A_64, %scan3A_65 : i32
    %scan3A_67 = arith.constant 1 : i32
    %scan3A_68:2 = scf.for %scan3A_77 = %scan3A_64 to %scan3A_66 step %scan3A_67 iter_args(%scan3A_78 = %get3A_61, %scan3A_79 = %add3A_63) -> (vector<16xf32>, vector<16xi32>)  : i32 {
      %mul3A_80 = arith.constant 16 : i32
      %mul3A_81 = arith.muli %scan3A_77, %mul3A_80 : i32
      %get3A_82 = arith.index_cast %mul3A_81 : i32 to index
      %get3A_83 = tpu.vector_load %arg8[%get3A_82] {strides = array<i32>} : memref<1024xf32, #tpu.memory_space<vmem>>, vector<16xf32>,
      %get3A_84 = vector.shape_cast %get3A_83 : vector<16xf32> to vector<16xf32>
      %mul3A_85 = arith.constant 16 : i32
      %mul3A_86 = arith.muli %scan3A_77, %mul3A_85 : i32
      %add3A_87 = arith.addi %add3A_46, %mul3A_86 : i32
      %iota3A_88 = tpu.iota {dimensions = array<i32: 0>} : vector<16xi32>
      %add3A_89 = vector.broadcast %add3A_87 : i32 to vector<16xi32>
      %add3A_90 = arith.addi %add3A_89, %iota3A_88 : vector<16xi32>
      %gt3A = arith.cmpf ogt, %get3A_84, %scan3A_78 : vector<16xf32>
      %select_n3A_91 = arith.select %gt3A, %get3A_84, %scan3A_78 : vector<16xi1>, vector<16xf32>
      %select_n3A_92 = arith.select %gt3A, %add3A_90, %scan3A_79 : vector<16xi1>, vector<16xi32>
      scf.yield %select_n3A_91, %select_n3A_92 : vector<16xf32>, vector<16xi32>
    }
    %scan3A_69 = arith.constant 63 : i32
    %swap3A = arith.constant 0 : index
    %swap3A_70 = tpu.vector_load %arg11[%swap3A] {strides = array<i32>} : memref<16xf32, #tpu.memory_space<vmem>>, vector<16xf32>,
    %swap3A_71 = vector.shape_cast %swap3A_70 : vector<16xf32> to vector<16xf32>
    %swap3A_72 = vector.shape_cast %scan3A_68#0 : vector<16xf32> to vector<16xf32>
    tpu.vector_store %arg11[%swap3A], %swap3A_72 {strides = array<i32>} : memref<16xf32, #tpu.memory_space<vmem>>, vector<16xf32>,
    %swap3A_73 = arith.constant 0 : index
    %swap3A_74 = tpu.vector_load %arg12[%swap3A_73] {strides = array<i32>} : memref<16xi32, #tpu.memory_space<vmem>>, vector<16xi32>,
    %swap3A_75 = vector.shape_cast %swap3A_74 : vector<16xi32> to vector<16xi32>
    %swap3A_76 = vector.shape_cast %scan3A_68#1 : vector<16xi32> to vector<16xi32>
    tpu.vector_store %arg12[%swap3A_73], %swap3A_76 {strides = array<i32>} : memref<16xi32, #tpu.memory_space<vmem>>, vector<16xi32>,
    "tpu.region"() ({
      %run_scoped3A = tpu.sem_alloc : memref<!tpu.dma_semaphore, #tpu.memory_space<semaphore_mem>>
      %dma_start3A_77 = arith.constant 0 : i32
      %dma_start3A_78 = tpu.memref_slice %arg5[%add3A, %dma_start3A_77] : memref<32x16xf32, #tpu.memory_space<hbm>> -> memref<1x16xf32, #tpu.memory_space<hbm>>
      %dma_start3A_79 = tpu.memref_squeeze %dma_start3A_78 : memref<1x16xf32, #tpu.memory_space<hbm>> -> memref<16xf32, #tpu.memory_space<hbm>>
      %dma_start3A_80 = arith.constant 0 : i32
      %dma_start3A_81 = tpu.memref_slice %arg5[%add3A, %dma_start3A_80] : memref<32x16xf32, #tpu.memory_space<hbm>> -> memref<1x16xf32, #tpu.memory_space<hbm>>
      %dma_start3A_82 = tpu.memref_squeeze %dma_start3A_81 : memref<1x16xf32, #tpu.memory_space<hbm>> -> memref<16xf32, #tpu.memory_space<hbm>>
      tpu.enqueue_dma source(%arg11 : memref<16xf32, #tpu.memory_space<vmem>>) target(%dma_start3A_82 : memref<16xf32, #tpu.memory_space<hbm>>) target_semaphore(%run_scoped3A : memref<!tpu.dma_semaphore, #tpu.memory_space<semaphore_mem>>)
      %dma_wait3A = arith.constant 0 : i32
      %dma_wait3A_83 = tpu.memref_slice %arg5[%add3A, %dma_wait3A] : memref<32x16xf32, #tpu.memory_space<hbm>> -> memref<1x16xf32, #tpu.memory_space<hbm>>
      %dma_wait3A_84 = tpu.memref_squeeze %dma_wait3A_83 : memref<1x16xf32, #tpu.memory_space<hbm>> -> memref<16xf32, #tpu.memory_space<hbm>>
      %dma_wait3A_85 = arith.constant 0 : i32
      %dma_wait3A_86 = tpu.memref_slice %arg5[%add3A, %dma_wait3A_85] : memref<32x16xf32, #tpu.memory_space<hbm>> -> memref<1x16xf32, #tpu.memory_space<hbm>>
      %dma_wait3A_87 = tpu.memref_squeeze %dma_wait3A_86 : memref<1x16xf32, #tpu.memory_space<hbm>> -> memref<16xf32, #tpu.memory_space<hbm>>
      tpu.wait_dma2 semaphore(%run_scoped3A : memref<!tpu.dma_semaphore, #tpu.memory_space<semaphore_mem>>) src(%arg11 : memref<16xf32, #tpu.memory_space<vmem>>) dst(%dma_wait3A_87 : memref<16xf32, #tpu.memory_space<hbm>>)
      tpu.yield
    }) : () -> ()
    "tpu.region"() ({
      %run_scoped3A = tpu.sem_alloc : memref<!tpu.dma_semaphore, #tpu.memory_space<semaphore_mem>>
      %dma_start3A_77 = arith.constant 0 : i32
      %dma_start3A_78 = tpu.memref_slice %arg6[%add3A, %dma_start3A_77] : memref<32x16xi32, #tpu.memory_space<hbm>> -> memref<1x16xi32, #tpu.memory_space<hbm>>
      %dma_start3A_79 = tpu.memref_squeeze %dma_start3A_78 : memref<1x16xi32, #tpu.memory_space<hbm>> -> memref<16xi32, #tpu.memory_space<hbm>>
      %dma_start3A_80 = arith.constant 0 : i32
      %dma_start3A_81 = tpu.memref_slice %arg6[%add3A, %dma_start3A_80] : memref<32x16xi32, #tpu.memory_space<hbm>> -> memref<1x16xi32, #tpu.memory_space<hbm>>
      %dma_start3A_82 = tpu.memref_squeeze %dma_start3A_81 : memref<1x16xi32, #tpu.memory_space<hbm>> -> memref<16xi32, #tpu.memory_space<hbm>>
      tpu.enqueue_dma source(%arg12 : memref<16xi32, #tpu.memory_space<vmem>>) target(%dma_start3A_82 : memref<16xi32, #tpu.memory_space<hbm>>) target_semaphore(%run_scoped3A : memref<!tpu.dma_semaphore, #tpu.memory_space<semaphore_mem>>)
      %dma_wait3A = arith.constant 0 : i32
      %dma_wait3A_83 = tpu.memref_slice %arg6[%add3A, %dma_wait3A] : memref<32x16xi32, #tpu.memory_space<hbm>> -> memref<1x16xi32, #tpu.memory_space<hbm>>
      %dma_wait3A_84 = tpu.memref_squeeze %dma_wait3A_83 : memref<1x16xi32, #tpu.memory_space<hbm>> -> memref<16xi32, #tpu.memory_space<hbm>>
      %dma_wait3A_85 = arith.constant 0 : i32
      %dma_wait3A_86 = tpu.memref_slice %arg6[%add3A, %dma_wait3A_85] : memref<32x16xi32, #tpu.memory_space<hbm>> -> memref<1x16xi32, #tpu.memory_space<hbm>>
      %dma_wait3A_87 = tpu.memref_squeeze %dma_wait3A_86 : memref<1x16xi32, #tpu.memory_space<hbm>> -> memref<16xi32, #tpu.memory_space<hbm>>
      tpu.wait_dma2 semaphore(%run_scoped3A : memref<!tpu.dma_semaphore, #tpu.memory_space<semaphore_mem>>) src(%arg12 : memref<16xi32, #tpu.memory_space<vmem>>) dst(%dma_wait3A_87 : memref<16xi32, #tpu.memory_space<hbm>>)
      tpu.yield
    }) : () -> ()
    return
  }
}

module attributes {stable_mosaic.version = 14 : i64} {
  func.func @_tc_body(%arg0: i32, %arg1: memref<1x1024xf32, #tpu.memory_space<vmem>>, %arg2: memref<1024x2048xf32, #tpu.memory_space<vmem>>, %arg3: memref<1x2048xf32, #tpu.memory_space<vmem>>, %arg4: memref<1x2048xf32, #tpu.memory_space<vmem>>, %arg5: memref<1x2048xi32, #tpu.memory_space<vmem>>, %arg6: memref<1x2048xf32, #tpu.memory_space<vmem>>, %arg7: memref<1x2048xi32, #tpu.memory_space<vmem>>) attributes {dimension_semantics = [#tpu.dimension_semantics<arbitrary>], iteration_bounds = array<i64: 34>, scalar_prefetch = 0 : i64, scratch_operands = 2 : i64, tpu.core_type = #tpu.core_type<tc>, window_params = [{pipeline_mode = #tpu.pipeline_mode<synchronous>, transform_indices = @transform_0, window_bounds = array<i64: 1, 1024>}, {transform_indices = @transform_1, window_bounds = array<i64: 1024, 2048>}, {transform_indices = @transform_2, window_bounds = array<i64: 1, 2048>}, {pipeline_mode = #tpu.pipeline_mode<synchronous>, transform_indices = @transform_3, window_bounds = array<i64: 1, 2048>}, {pipeline_mode = #tpu.pipeline_mode<synchronous>, transform_indices = @transform_4, window_bounds = array<i64: 1, 2048>}]} {
    %get3A = arith.constant 0 : index
    %get3A_0 = arith.constant 0 : index
    %get3A_1 = vector.load %arg1[%get3A, %get3A_0] : memref<1x1024xf32, #tpu.memory_space<vmem>>, vector<1x1024xf32>
    %get3A_2 = arith.constant 0 : index
    %get3A_3 = arith.constant 0 : index
    %get3A_4 = vector.load %arg2[%get3A_2, %get3A_3] : memref<1024x2048xf32, #tpu.memory_space<vmem>>, vector<1024x2048xf32>
    %dot_general3A = arith.constant dense<0.000000e+00> : vector<1x2048xf32>
    %dot_general3A_5 = tpu.matmul %get3A_1, %get3A_4, %dot_general3A {dimension_numbers = #tpu.dot_dimension_numbers<[1], [0], [0], [1], [0, 0, 1, 1], [], []>, transpose_lhs_hint = false} : vector<1x1024xf32>, vector<1024x2048xf32>, vector<1x2048xf32> -> vector<1x2048xf32>
    %get3A_6 = arith.constant 0 : index
    %get3A_7 = arith.constant 0 : index
    %get3A_8 = vector.load %arg3[%get3A_6, %get3A_7] : memref<1x2048xf32, #tpu.memory_space<vmem>>, vector<1x2048xf32>
    %add3A = arith.addf %dot_general3A_5, %get3A_8 : vector<1x2048xf32>
    %iota3A = tpu.iota {dimensions = array<i32: 1>} : vector<1x2048xi32>
    %mul3A = arith.constant 2048 : i32
    %mul3A_9 = arith.muli %arg0, %mul3A : i32
    %add3A_10 = vector.broadcast %mul3A_9 : i32 to vector<1x2048xi32>
    %add3A_11 = arith.addi %iota3A, %add3A_10 : vector<1x2048xi32>
    %eq3A = arith.constant 0 : i32
    %eq3A_12 = arith.cmpi eq, %arg0, %eq3A : i32
    %convert_element_type3A = arith.extui %eq3A_12 : i1 to i32
    %cond3A = arith.constant 0 : i32
    %cond3A_13 = arith.cmpi ne, %convert_element_type3A, %cond3A : i32
    scf.if %cond3A_13 {
      %swap3A = arith.constant 0 : index
      %swap3A_23 = arith.constant 0 : index
      %swap3A_24 = vector.load %arg6[%swap3A, %swap3A_23] : memref<1x2048xf32, #tpu.memory_space<vmem>>, vector<1x2048xf32>
      tpu.vector_store %arg6[%swap3A, %swap3A_23], %add3A {strides = array<i32>} : memref<1x2048xf32, #tpu.memory_space<vmem>>, vector<1x2048xf32>,
      %swap3A_25 = arith.constant 0 : index
      %swap3A_26 = arith.constant 0 : index
      %swap3A_27 = vector.load %arg7[%swap3A_25, %swap3A_26] : memref<1x2048xi32, #tpu.memory_space<vmem>>, vector<1x2048xi32>
      tpu.vector_store %arg7[%swap3A_25, %swap3A_26], %add3A_11 {strides = array<i32>} : memref<1x2048xi32, #tpu.memory_space<vmem>>, vector<1x2048xi32>,
    } else {
    }
    %gt3A = arith.constant 0 : i32
    %gt3A_14 = arith.cmpi sgt, %arg0, %gt3A : i32
    %convert_element_type3A_15 = arith.extui %gt3A_14 : i1 to i32
    %cond3A_16 = arith.constant 0 : i32
    %cond3A_17 = arith.cmpi ne, %convert_element_type3A_15, %cond3A_16 : i32
    scf.if %cond3A_17 {
      %get3A_23 = arith.constant 0 : index
      %get3A_24 = arith.constant 0 : index
      %get3A_25 = vector.load %arg6[%get3A_23, %get3A_24] : memref<1x2048xf32, #tpu.memory_space<vmem>>, vector<1x2048xf32>
      %gt3A_26 = arith.cmpf ogt, %add3A, %get3A_25 : vector<1x2048xf32>
      %get3A_27 = arith.constant 0 : index
      %get3A_28 = arith.constant 0 : index
      %get3A_29 = vector.load %arg6[%get3A_27, %get3A_28] : memref<1x2048xf32, #tpu.memory_space<vmem>>, vector<1x2048xf32>
      %select_n3A = arith.select %gt3A_26, %add3A, %get3A_29 : vector<1x2048xi1>, vector<1x2048xf32>
      %swap3A = arith.constant 0 : index
      %swap3A_30 = arith.constant 0 : index
      %swap3A_31 = vector.load %arg6[%swap3A, %swap3A_30] : memref<1x2048xf32, #tpu.memory_space<vmem>>, vector<1x2048xf32>
      tpu.vector_store %arg6[%swap3A, %swap3A_30], %select_n3A {strides = array<i32>} : memref<1x2048xf32, #tpu.memory_space<vmem>>, vector<1x2048xf32>,
      %get3A_32 = arith.constant 0 : index
      %get3A_33 = arith.constant 0 : index
      %get3A_34 = vector.load %arg7[%get3A_32, %get3A_33] : memref<1x2048xi32, #tpu.memory_space<vmem>>, vector<1x2048xi32>
      %select_n3A_35 = arith.select %gt3A_26, %add3A_11, %get3A_34 : vector<1x2048xi1>, vector<1x2048xi32>
      %swap3A_36 = arith.constant 0 : index
      %swap3A_37 = arith.constant 0 : index
      %swap3A_38 = vector.load %arg7[%swap3A_36, %swap3A_37] : memref<1x2048xi32, #tpu.memory_space<vmem>>, vector<1x2048xi32>
      tpu.vector_store %arg7[%swap3A_36, %swap3A_37], %select_n3A_35 {strides = array<i32>} : memref<1x2048xi32, #tpu.memory_space<vmem>>, vector<1x2048xi32>,
    } else {
    }
    %eq3A_18 = arith.constant 33 : i32
    %eq3A_19 = arith.cmpi eq, %arg0, %eq3A_18 : i32
    %convert_element_type3A_20 = arith.extui %eq3A_19 : i1 to i32
    %cond3A_21 = arith.constant 0 : i32
    %cond3A_22 = arith.cmpi ne, %convert_element_type3A_20, %cond3A_21 : i32
    scf.if %cond3A_22 {
      %get3A_23 = arith.constant 0 : index
      %get3A_24 = arith.constant 0 : index
      %get3A_25 = vector.load %arg6[%get3A_23, %get3A_24] : memref<1x2048xf32, #tpu.memory_space<vmem>>, vector<1x2048xf32>
      %swap3A = arith.constant 0 : index
      %swap3A_26 = arith.constant 0 : index
      %swap3A_27 = vector.load %arg4[%swap3A, %swap3A_26] : memref<1x2048xf32, #tpu.memory_space<vmem>>, vector<1x2048xf32>
      tpu.vector_store %arg4[%swap3A, %swap3A_26], %get3A_25 {strides = array<i32>} : memref<1x2048xf32, #tpu.memory_space<vmem>>, vector<1x2048xf32>,
      %get3A_28 = arith.constant 0 : index
      %get3A_29 = arith.constant 0 : index
      %get3A_30 = vector.load %arg7[%get3A_28, %get3A_29] : memref<1x2048xi32, #tpu.memory_space<vmem>>, vector<1x2048xi32>
      %swap3A_31 = arith.constant 0 : index
      %swap3A_32 = arith.constant 0 : index
      %swap3A_33 = vector.load %arg5[%swap3A_31, %swap3A_32] : memref<1x2048xi32, #tpu.memory_space<vmem>>, vector<1x2048xi32>
      tpu.vector_store %arg5[%swap3A_31, %swap3A_32], %get3A_30 {strides = array<i32>} : memref<1x2048xi32, #tpu.memory_space<vmem>>, vector<1x2048xi32>,
    } else {
    }
    return
  }
  func.func @transform_0(%arg0: i32) -> (i32, i32) {
    %c0_i32 = arith.constant 0 : i32
    %c0_i32_0 = arith.constant 0 : i32
    %c0_i32_1 = arith.constant 0 : i32
    return %c0_i32, %c0_i32_0 : i32, i32
  }
  func.func @transform_1(%arg0: i32) -> (i32, i32) {
    %c0_i32 = arith.constant 0 : i32
    %c0_i32_0 = arith.constant 0 : i32
    return %c0_i32, %arg0 : i32, i32
  }
  func.func @transform_2(%arg0: i32) -> (i32, i32) {
    %c0_i32 = arith.constant 0 : i32
    %c0_i32_0 = arith.constant 0 : i32
    return %c0_i32, %arg0 : i32, i32
  }
  func.func @transform_3(%arg0: i32) -> (i32, i32) {
    %c0_i32 = arith.constant 0 : i32
    %c0_i32_0 = arith.constant 0 : i32
    %c0_i32_1 = arith.constant 0 : i32
    return %c0_i32, %c0_i32_0 : i32, i32
  }
  func.func @transform_4(%arg0: i32) -> (i32, i32) {
    %c0_i32 = arith.constant 0 : i32
    %c0_i32_0 = arith.constant 0 : i32
    %c0_i32_1 = arith.constant 0 : i32
    return %c0_i32, %c0_i32_0 : i32, i32
  }
}

module attributes {stable_mosaic.version = 14 : i64} {
  func.func @_merge_body(%arg0: memref<32x16xf32, #tpu.memory_space<vmem>>, %arg1: memref<32x16xi32, #tpu.memory_space<vmem>>, %arg2: memref<1x2048xf32, #tpu.memory_space<vmem>>, %arg3: memref<1x2048xi32, #tpu.memory_space<vmem>>, %arg4: memref<1xi32, #tpu.memory_space<smem>>) attributes {dimension_semantics = [], scalar_prefetch = 0 : i64, scratch_operands = 0 : i64, tpu.core_type = #tpu.core_type<tc>} {
    %get3A = arith.constant 0 : index
    %get3A_0 = arith.constant 0 : index
    %get3A_1 = vector.load %arg0[%get3A, %get3A_0] : memref<32x16xf32, #tpu.memory_space<vmem>>, vector<32x16xf32>
    %reduce_max3A = vector.shape_cast %get3A_1 : vector<32x16xf32> to vector<1x32x16xf32>
    %reduce_max3A_2 = arith.constant dense<0xFF800000> : vector<1xf32>
    %reduce_max3A_3 = vector.multi_reduction <maximumf>, %reduce_max3A, %reduce_max3A_2 [1, 2] : vector<1x32x16xf32> to vector<1xf32>
    %reduce_max3A_4 = vector.shape_cast %reduce_max3A_3 : vector<1xf32> to vector<1x1x1xf32>
    %reduce_max3A_5 = vector.extract %reduce_max3A_4[0, 0, 0] : f32 from vector<1x1x1xf32>
    %get3A_6 = arith.constant 0 : index
    %get3A_7 = arith.constant 0 : index
    %get3A_8 = vector.load %arg2[%get3A_6, %get3A_7] : memref<1x2048xf32, #tpu.memory_space<vmem>>, vector<1x2048xf32>
    %reduce_max3A_9 = vector.shape_cast %get3A_8 : vector<1x2048xf32> to vector<1x1x2048xf32>
    %reduce_max3A_10 = arith.constant dense<0xFF800000> : vector<1xf32>
    %reduce_max3A_11 = vector.multi_reduction <maximumf>, %reduce_max3A_9, %reduce_max3A_10 [1, 2] : vector<1x1x2048xf32> to vector<1xf32>
    %reduce_max3A_12 = vector.shape_cast %reduce_max3A_11 : vector<1xf32> to vector<1x1x1xf32>
    %reduce_max3A_13 = vector.extract %reduce_max3A_12[0, 0, 0] : f32 from vector<1x1x1xf32>
    %max3A = arith.maximumf %reduce_max3A_5, %reduce_max3A_13 : f32
    %get3A_14 = arith.constant 0 : index
    %get3A_15 = arith.constant 0 : index
    %get3A_16 = vector.load %arg0[%get3A_14, %get3A_15] : memref<32x16xf32, #tpu.memory_space<vmem>>, vector<32x16xf32>
    %eq3A = vector.broadcast %max3A : f32 to vector<32x16xf32>
    %eq3A_17 = arith.cmpf oeq, %get3A_16, %eq3A : vector<32x16xf32>
    %get3A_18 = arith.constant 0 : index
    %get3A_19 = arith.constant 0 : index
    %get3A_20 = vector.load %arg1[%get3A_18, %get3A_19] : memref<32x16xi32, #tpu.memory_space<vmem>>, vector<32x16xi32>
    %jit3A = arith.constant 100000 : i32
    %broadcast_in_dim3A = vector.broadcast %jit3A : i32 to vector<32x16xi32>
    %select_n3A = arith.select %eq3A_17, %get3A_20, %broadcast_in_dim3A : vector<32x16xi1>, vector<32x16xi32>
    %reduce_min3A = vector.shape_cast %select_n3A : vector<32x16xi32> to vector<1x32x16xi32>
    %reduce_min3A_21 = arith.constant dense<2147483647> : vector<1xi32>
    %reduce_min3A_22 = vector.multi_reduction <minsi>, %reduce_min3A, %reduce_min3A_21 [1, 2] : vector<1x32x16xi32> to vector<1xi32>
    %reduce_min3A_23 = vector.shape_cast %reduce_min3A_22 : vector<1xi32> to vector<1x1x1xi32>
    %reduce_min3A_24 = vector.extract %reduce_min3A_23[0, 0, 0] : i32 from vector<1x1x1xi32>
    %get3A_25 = arith.constant 0 : index
    %get3A_26 = arith.constant 0 : index
    %get3A_27 = vector.load %arg2[%get3A_25, %get3A_26] : memref<1x2048xf32, #tpu.memory_space<vmem>>, vector<1x2048xf32>
    %eq3A_28 = vector.broadcast %max3A : f32 to vector<1x2048xf32>
    %eq3A_29 = arith.cmpf oeq, %get3A_27, %eq3A_28 : vector<1x2048xf32>
    %get3A_30 = arith.constant 0 : index
    %get3A_31 = arith.constant 0 : index
    %get3A_32 = vector.load %arg3[%get3A_30, %get3A_31] : memref<1x2048xi32, #tpu.memory_space<vmem>>, vector<1x2048xi32>
    %jit3A_33 = arith.constant 100000 : i32
    %broadcast_in_dim3A_34 = vector.broadcast %jit3A_33 : i32 to vector<1x2048xi32>
    %select_n3A_35 = arith.select %eq3A_29, %get3A_32, %broadcast_in_dim3A_34 : vector<1x2048xi1>, vector<1x2048xi32>
    %reduce_min3A_36 = vector.shape_cast %select_n3A_35 : vector<1x2048xi32> to vector<1x1x2048xi32>
    %reduce_min3A_37 = arith.constant dense<2147483647> : vector<1xi32>
    %reduce_min3A_38 = vector.multi_reduction <minsi>, %reduce_min3A_36, %reduce_min3A_37 [1, 2] : vector<1x1x2048xi32> to vector<1xi32>
    %reduce_min3A_39 = vector.shape_cast %reduce_min3A_38 : vector<1xi32> to vector<1x1x1xi32>
    %reduce_min3A_40 = vector.extract %reduce_min3A_39[0, 0, 0] : i32 from vector<1x1x1xi32>
    %min3A = arith.minsi %reduce_min3A_24, %reduce_min3A_40 : i32
    %swap3A = arith.constant 0 : index
    %swap3A_41 = memref.load %arg4[%swap3A] : memref<1xi32, #tpu.memory_space<smem>>
    memref.store %min3A, %arg4[%swap3A] : memref<1xi32, #tpu.memory_space<smem>>
    return
  }
}

</mosaic_0001>

<sc_bundles>
// kernel: kernel.5.cloned.1.call-start
scs
__scs_entry_jumppad:
0x0: {  	(pc) =	sbr.rel $0x88, $3  }
0x1: {  	(tag) =	ssettag $0x0;
	lr =	simm.s32 $0x1  }
0x2: {  	[smem:$0x3F9E] =	sst lr;
	_ =	strace $0xD0000000  }
0x3: {  	_ = 	snop  }
0x4: {  	_ = 	snop  }
0x5: {  	_ = 	snop  }
0x6: {  	_ = 	snop  }
0x7: {  	_ = 	snop  }
__scs_overlays_trampoline_lowered:
0x8: {  	[smem:$0x3FAD] =	sst s0  }
0x9: {  	[smem:$0x3FAE] =	sst s1  }
0xa: {  	[smem:$0x3FAF] =	sst s2  }
0xb: {  	[smem:$0x3FB0] =	sst s3  }
0xc: {  	[smem:$0x3FB1] =	sst s4  }
0xd: {  	[smem:$0x3FB2] =	sst s5  }
0xe: {  	[smem:$0x3FB3] =	sst s6  }
0xf: {  	[smem:$0x3FB4] =	sst s7  }
0x10: {  	[smem:$0x3FB5] =	sst s8  }
0x11: {  	[smem:$0x3FB6] =	sst s9;
	s0 =	simm.s32 @!p0 $0x0  }
0x12: {  	s1 =	sld [smem:$0x3F9C];
	s0 =	simm.s32 @p0 $0x1  }
0x13: {  	[smem:$0x3FB7] =	sst s0;
	s0 =	simm.s32 @!p1 $0x0  }
0x14: {  	s2 =	sld [smem:$0x3F9B];
	s0 =	simm.s32 @p1 $0x1  }
0x15: {  	[smem:$0x3FB8] =	sst s0;
	s0 =	simm.s32 @!p2 $0x0  }
0x16: {  	s3 =	sld [smem:$0x3FDB];
	s0 =	simm.s32 @p2 $0x1  }
0x17: {  	s4 =	simm.s32 $0x1BF5;
	[smem:$0x3FBA] =	sst s0  }
0x18: {  	s0 =	sld [smem:$0x3F9D];
	_ =	swait.ge [sflag:s4], $0x0  }
0x19: {  	s7 =	sld [smem:$0x3F9E]  }
0x1a: {  	s8 =	sadd.s32 $0xFFFFE003, lr  }
0x1b: {  	s9 =	sadd.s32 $0xFFFFFEF7, lr;
	s5 =	simm.s32 $0xFFFFFFFF;
	p2 =	slt.u32 s8, $0xFFFFF086  }
0x1c: {  	p1 =	slt.u32 s9, $0xF7A;
	s5 =	simm.s32 @!p2 $0x0  }
0x1d: {  	s5 =	simm.s32 @p1 $0x1;
	p0 =	seq.s32 s7, s2  }
0x1e: {  	s7 =	smul.u32 @!p0 $0xF7A, s2;
	p2 =	seq.s32 @!p0 s5, $0x0  }
0x1f: {  	s9 =	smul.u32 $0xF7A, s1;
	s8 =	simm.s32 @!p0 $0x1BF5;
	p2 =	por !p2, p0  }
0x20: {  	[sflag:s8] =	ssyncset.s32 @!p0 $0xFFFFF086;
	s6 =	sadd.s32 @!p0 s3, s7;
	s7 =	simm.s32 @!p0 $0x108  }
0x21: {  	s3 =	sadd.s32 s3, s9;
	s6 =	sadd.s32 @!p0 $0x88, s6;
	s7 =	simm.s32 @p2 $0x1082  }
0x22: {  	[simem:s7], [sflag:s8] =	dma.local @!p0 [hbm:s6], $0xF7A  }
0x23: {  	s9 =	sor.u32 $0xD0000000, s2;
	s6 =	simm.s32 $0x108;
	_ =	swait.ge @!p0 [sflag:s8], $0x0  }
0x24: {  	s3 =	sadd.s32 $0x88, s3;
	s6 =	simm.s32 @!p1 $0x1082;
	[sflag:s4] =	ssyncset.s32 $0xFFFFF086  }
0x25: {  	[simem:s6], [sflag:s4] =	dma.local [hbm:s3], $0xF7A  }
0x26: {  	[smem:$0x3F9E] =	sst s1;
	(tag) =	ssettag s2;
	_ =	strace s9  }
0x27: {  	s1 =	sld [smem:$0x3FAE]  }
0x28: {  	s2 =	sld [smem:$0x3FAF]  }
0x29: {  	s4 =	sld [smem:$0x3FB1]  }
0x2a: {  	p0 =	seq.s32 s5, $0x0;
	s5 =	sld [smem:$0x3FB2]  }
0x2b: {  	s6 =	sld [smem:$0x3FB3]  }
0x2c: {  	s7 =	sld [smem:$0x3FB4]  }
0x2d: {  	s3 =	simm.s32 $0x108;
	s8 =	sld [smem:$0x3FB5]  }
0x2e: {  	s3 =	simm.s32 @!p0 $0x1082;
	s9 =	sld [smem:$0x3FB6]  }
0x2f: {  	lr =	sadd.s32 s0, s3;
	s0 =	sld [smem:$0x3FAD]  }
0x30: {  	s3 =	sld [smem:$0x3FB0]  }
0x31: {  	[smem:$0x3FB9] =	sst s10  }
0x32: {  	s10 =	sld [smem:$0x3FB7];
	_ =	sdelay $0x3  }
0x33: {  	p0 =	seq.s32 s10, $0x1;
	s10 =	sld [smem:$0x3FB9];
	_ =	sdelay $0x3  }
0x34: {  	[smem:$0x3FB9] =	sst s10  }
0x35: {  	s10 =	sld [smem:$0x3FB8];
	_ =	sdelay $0x3  }
0x36: {  	p1 =	seq.s32 s10, $0x1;
	s10 =	sld [smem:$0x3FB9];
	_ =	sdelay $0x3  }
0x37: {  	[smem:$0x3FB9] =	sst s10  }
0x38: {  	s10 =	sld [smem:$0x3FBA]  }
0x39: {  	_ = 	snop;
	(pc) =	sbr.ind lr, $3  }
0x3a: {  	_ = 	snop  }
0x3b: {  	_ = 	snop  }
0x3c: {  	p2 =	seq.s32 s10, $0x1;
	s10 =	sld [smem:$0x3FB9]  }
0x3d: {  	_ =	shalt  }
0x3e: {  	_ =	shalt  }
0x3f: {  	_ =	shalt  }
0x40: {  	_ =	shalt  }
0x41: {  	_ =	shalt  }
0x42: {  	_ =	shalt  }
0x43: {  	_ =	shalt  }
0x44: {  	_ =	shalt  }
0x45: {  	_ =	shalt  }
0x46: {  	_ =	shalt  }
0x47: {  	_ =	shalt  }
0x48: {  	_ =	shalt  }
0x49: {  	_ =	shalt  }
0x4a: {  	_ =	shalt  }
0x4b: {  	_ =	shalt  }
0x4c: {  	_ =	shalt  }
0x4d: {  	_ =	shalt  }
0x4e: {  	_ =	shalt  }
0x4f: {  	_ =	shalt  }
0x50: {  	_ =	shalt  }
0x51: {  	_ =	shalt  }
0x52: {  	_ =	shalt  }
0x53: {  	_ =	shalt  }
0x54: {  	_ =	shalt  }
0x55: {  	_ =	shalt  }
0x56: {  	_ =	shalt  }
0x57: {  	_ =	shalt  }
0x58: {  	_ =	shalt  }
0x59: {  	_ =	shalt  }
0x5a: {  	_ =	shalt  }
0x5b: {  	_ =	shalt  }
0x5c: {  	_ =	shalt  }
0x5d: {  	_ =	shalt  }
0x5e: {  	_ =	shalt  }
0x5f: {  	_ =	shalt  }
0x60: {  	_ =	shalt  }
0x61: {  	_ =	shalt  }
0x62: {  	_ =	shalt  }
0x63: {  	_ =	shalt  }
0x64: {  	_ =	shalt  }
0x65: {  	_ =	shalt  }
0x66: {  	_ =	shalt  }
0x67: {  	_ =	shalt  }
0x68: {  	_ =	shalt  }
0x69: {  	_ =	shalt  }
0x6a: {  	_ =	shalt  }
0x6b: {  	_ =	shalt  }
0x6c: {  	_ =	shalt  }
0x6d: {  	_ =	shalt  }
0x6e: {  	_ =	shalt  }
0x6f: {  	_ =	shalt  }
0x70: {  	_ =	shalt  }
0x71: {  	_ =	shalt  }
0x72: {  	_ =	shalt  }
0x73: {  	_ =	shalt  }
0x74: {  	_ =	shalt  }
0x75: {  	_ =	shalt  }
0x76: {  	_ =	shalt  }
0x77: {  	_ =	shalt  }
0x78: {  	_ =	shalt  }
0x79: {  	_ =	shalt  }
0x7a: {  	_ =	shalt  }
0x7b: {  	_ =	shalt  }
0x7c: {  	_ =	shalt  }
0x7d: {  	_ =	shalt  }
0x7e: {  	_ =	shalt  }
0x7f: {  	_ =	shalt  }
0x80: {  	_ =	shalt  }
0x81: {  	_ =	shalt  }
0x82: {  	_ =	shalt  }
0x83: {  	_ =	shalt  }
0x84: {  	_ =	shalt  }
0x85: {  	_ =	shalt  }
0x86: {  	_ =	shalt  }
0x87: {  	_ =	shalt  }
.Lfunc_end0:
.L_simem_size_0:
called_computation_lowered:
.L_overlay_start_0:
0x88: {  	s2 =	sld [smem:$0x3FD9]  }
0x89: {  	s3 =	sld [smem:$0x3FFE];
	_ =	sdelay $0x1  }
0x8a: {  	s1 =	srdreg.scid  }
0x8b: {  	s0 =	sand.u32 $0x1, s1  }
0x8c: {  	s17 =	sshll.u32 s0, $0xA;
	s2 =	sadd.s32 s3, s2  }
0x8d: {  	s2 =	sadd.s32 s2, s17  }
0x8e: {  	[smem:$0x3FC5] =	sst s2  }
0x8f: {  	_ = 	snop  }
0x90: {  	s2 =	sld [smem:$0x3FC7];
	(tm) =	ssettm $0x1  }
0x91: {  	s18 =	sld [smem:$0x3FFB];
	_ =	sdelay $0x3  }
0x92: {  	_ =	strace s18  }
0x93: {  	s3 =	sld [smem:$0x3FFC];
	_ =	sdelay $0x3  }
0x94: {  	_ =	strace s3  }
0x95: {  	s3 =	sld [smem:$0x3FFD];
	_ =	sdelay $0x3  }
0x96: {  	_ =	strace s3  }
0x97: {  	_ =	strace $0x8FFFFFFF  }
0x98: {  	s19 =	sld [smem:$0x3FDB];
	_ =	sdelay $0x1  }
0x99: {  	s4 =	simm.s32 $_scs_section_size  }
0x9a: {  	s5 =	simm.s32 $_size__tile_overlayer_lowered;
	s6 =	simm.s32 $_tile_overlayer_lowered  }
0x9b: {  	s22 =	simm.s32 $0x1BFF;
	s21 =	sshll.u32 s6, $0x1;
	s3 =	sadd.s32 s4, s19  }
0x9c: {  	s7 =	simm.s32 $0x0;
	s20 =	sshll.u32 s5, $0x1;
	s5 =	sadd.s32 s21, s3  }
0x9d: {  	[timem:s7], [sflag:s22] =	dma.local [hbm:s5], s20  }
0x9e: {  	_ =	swait.ge [sflag:s22], s20  }
0x9f: {  	s4 =	ssub.s32 $0x0, s20;
	[sflag:s22] =	ssyncset.done $0x0  }
0xa0: {  	[sflag:s22] =	ssyncadd.s32 s4;
	_ =	sdelay $0x1  }
0xa1: {  	s23 =	simm.s32 $0x1B8B  }
0xa2: {  	_ =	swait.ge [sflag:s23], $0x1  }
0xa3: {  	[sflag:s23] =	ssyncset.done $0x0  }
0xa4: {  	s25 =	simm.s32 $0x1B8E;
	s24 =	sld [smem:$0x3FFE];
	[sflag:s23] =	ssyncadd.s32 $0xFFFFFFFF  }
0xa5: {  	s26 =	simm.s32 $execute0_lowered;
	[smem:$0x3FD2] =	sst s25  }
0xa6: {  	s5 =	sshll.u32 s26, $0x1;
	_ =	strace $0x80000046;
	[dreg:$0x1] =	wrdreg $0xFFFFFFFF  }
0xa7: {  	s28 =	simm.s32 $_size_execute0_lowered;
	s3 =	sadd.s32 s3, s5;
	[dreg:$0x0] =	wrdreg $0x0  }
0xa8: {  	s5 =	sshll.u32 s28, $0x1;
	[dreg:$0x2] =	wrdreg s3  }
0xa9: {  	[dreg:$0x3] =	wrdreg s5  }
0xaa: {  	[dreg:$0x4] =	wrdreg $0xC0  }
0xab: {  	_ =	task [dreg:s7], $0x5FFFF  }
0xac: {  	[dreg:$0x1] =	wrdreg $0xFFFFFFFF  }
0xad: {  	[dreg:$0x0] =	wrdreg $0x60  }
0xae: {  	[dreg:$0x2] =	wrdreg s24  }
0xaf: {  	[dreg:$0x3] =	wrdreg s2  }
0xb0: {  	[dreg:$0x4] =	wrdreg $0x9  }
0xb1: {  	_ =	task.clear_ibuf [dreg:s7], $0x5FFFF;
	_ =	strace $0x90000046  }
0xb2: {  	s29 =	simm.s32 $0x9;
	_ =	strace $0x80000048  }
0xb3: {  	_ =	swait.ge [sflag:s29], $0x1  }
0xb4: {  	[sflag:s29] =	ssyncadd.s32 $0xFFFFFFFF  }
0xb5: {  	_ =	strace $0x90000048  }
0xb6: {  	_ =	sfence  }
0xb7: {  	s30 =	sld [smem:$0x0];
	_ =	sdelay $0x2  }
0xb8: {  	s31 =	sshll.u32 s1, $0xD;
	s1 =	sshrl.u32 s1, $0x2  }
0xb9: {  	s3 =	sand.u32 $0x4000, s31;
	s1 =	sadd.s32 s1, s30  }
0xba: {  	s0 =	sor.u32 s3, s0;
	s1 =	sshll.u32 s1, $0x11  }
0xbb: {  	s0 =	sor.u32 s1, s0  }
0xbc: {  	s0 =	sadd.s32 $0x8F2B, s0  }
0xbd: {  	[sflag:s0] =	ssyncadd.remote.s32 $0x1  }
0xbe: {  	_ =	sfence.sel $0xFFFF  }
0xbf: {  	[dreg:$0x0] =	wrdreg $0xFFFFFFFF;
	(pc) =	sbr.abs _section_cstart, $3  }
0xc0: {  	[dreg:$0x1] =	wrdreg $0xFFFFFFFF  }
0xc1: {  	_ =	task.clear_ibuf [dreg:s7], $0x2FFFF;
	_ =	strace $0x9FFFFFFF  }
0xc2: {  	(tm) =	ssettm $0x7FFFFFFF  }
0xc3: {  	_ =	shalt  }
tec
execute0_lowered:
.L_overlay_start_1:
0x0: {  	(tag) =	ssettag $0x1  }
0x1: {  	s1 =	srdreg.scid;
	s7 =	rddreg [dreg:$0x0]  }
0x2: {  	s0 =	stileid.u32;
	s9 =	rddreg [dreg:$0x1];
	s2 =	simm.s32 $0x0  }
0x3: {  	s10 =	simm.s32 $0x1;
	s16 =	simm.s32 $0x400;
	s17 =	simm.s32 $0x186A0  }
0x4: {  	s18 =	simm.s32 $0x800;
	s5 =	sand.u32 $0x1, s1;
	s26 =	sshll.u32 s0, $0x1  }
0x5: {  	s19 =	simm.s32 $0x4800;
	s20 =	simm.s32 $0x2;
	s6 =	sor.u32 s5, s26  }
0x6: {  	s22 =	simm.s32 $0x8810;
	s1 =	rddreg [dreg:$0x2];
	s8 =	smul.u32 $0x7920, s6  }
0x7: {  	s23 =	simm.s32 $0x0;
	[smem:$0x7FF] =	sst s2;
	s12 =	smul.u32 $0xF240, s0  }
0x8: {  	_ =	strace $0x80000047;
	s11 =	ssub.s32 $0x2, s5;
	s3 =	smulhi.u32 $0x8421085, s8  }
0x9: {  	s14 =	smul.u32 $0x7920, s5;
	s5 =	simm.s32 $0x1;
	p0 =	seq.s32 s6, $0x0  }
0xa: {  	s6 =	sshll.u32 s6, $0x1;
	s13 =	sshrl.u32 s11, $0x1;
	s4 =	sand.u32 $0x7, s3  }
0xb: {  	s15 =	sadd.s32 s6, s7;
	s13 =	ssub.s32 s11, s13;
	p1 =	sne.s32 s4, $0x0  }
0xc: {  	s29 =	sadd.s32 s14, s12;
	s8 =	smulhi.u32 $0x1084211, s8;
	p0 =	por !p0, !p1  }
0xd: {  	s12 =	smulhi.u32 $0x1084211, s29;
	s11 =	sadd.s32 $0x186E200, s15;
	p0 =	por !p0, !p0  }
0xe: {  	s13 =	smax.u32 s13, $0x1;
	s3 =	sadd.s32 $0x186DE00, s7;
	s10 =	simm.s32 @!p0 $0x0  }
0xf: {  	s4 =	sadd.s32 $0xC38E00, s7;
	s8 =	ssub.s32 s8, s10;
	s12 =	ssub.s32 s12, s10  }
0x10: {  	s28 =	sshll.u32 s8, $0x3;
	s31 =	sshll.u32 s12, $0x3;
	s12 =	sadd.s32 $0x186E000, s15  }
0x11: {  	s15 =	simm.s32 $0x3;
	s21 =	sadd.s32 $0x10980, s28;
	s8 =	sadd.s32 $0x197380, s28  }
0x12: {  	v0 =	vlaneseq.u32;
	s10 =	sadd.s32 $0x4A4780, s28;
	s14 =	sadd.s32 $0x10990, s31;
	s30 =	sshrl.u32 s21, $0x3  }
0x13: {  	s8 =	sshrl.u32 s8, $0x3;
	v1 =	vadd.s32 s21, v0;
	s21 =	simm.s32 $0x8800;
	s6 =	sadd.s32 s9, s30  }
0x14: {  	s7 =	sadd.s32 s4, s30;
	s8 =	sadd.s32 s4, s8;
	s9 =	sadd.s32 $0x31DD80, s28  }
.LBB2_1:
0x15: {  	[tilespmem:s2], [sflag:$0x3] =	stream.linear.gather [hbm4b:s3+s2], $0x400, $0x38;
	[tilespmem:$0x8820] =	vst v63  }
0x16: {  	_ =	swait.ge [sflag:s15], $0x400  }
0x17: {  	[sflag:s15] =	ssyncset.done $0x0  }
0x18: {  	[sflag:s15] =	ssyncadd.s32 $0xFFFFFC00  }
0x19: {  	[tilespmem:s16], [sflag:$0x3] =	stream.linear.gather [hbm4b:s6+s2], $0x400, $0x38;
	[tilespmem:$0x8820] =	vst v63  }
0x1a: {  	_ =	swait.ge [sflag:s15], $0x400  }
0x1b: {  	[sflag:s15] =	ssyncset.done $0x0  }
0x1c: {  	[sflag:s15] =	ssyncadd.s32 $0xFFFFFC00  }
0x1d: {  	[tilespmem:s18], [sflag:$0x1] =	stream.strided.gather [hbm4b:s7+s16], $0x4000, s17, s16, $0x38;
	[tilespmem:$0x8820] =	vst v63  }
0x1e: {  	s24 =	simm.s32 $0x0  }
0x1f: {  	[tilespmem:s19], [sflag:$0x2] =	stream.strided.gather [hbm4b:s8+s16], $0x4000, s17, s16, $0x38;
	[tilespmem:$0x8820] =	vst v63  }
.LBB2_2:
0x20: {  	_ =	swait.ge [sflag:s5], $0x4000  }
0x21: {  	s25 =	sshll.u32 s24, $0x5;
	[sflag:s5] =	ssyncset.done $0x0  }
0x22: {  	s25 =	sand.u32 $0x3FFFFFE0, s25;
	[sflag:s5] =	ssyncadd.s32 $0xFFFFC000  }
0x23: {  	s26 =	simm.s32 $0x2800;
	v17 =	vld [tilespmem:s25+$0x0]  }
0x24: {  	v18 =	vld [tilespmem:s26+$0xFFFFEC30]  }
0x25: {  	v19 =	vld [tilespmem:s26+$0xFFFFFC30]  }
0x26: {  	v16 =	vld [tilespmem:s26+$0xFFFFE830]  }
0x27: {  	v20 =	vld [tilespmem:s26+$0xFFFFF830]  }
0x28: {  	v15 =	vld [tilespmem:s26+$0xFFFFE030]  }
0x29: {  	v21 =	vld [tilespmem:s26+$0xFFFFE430]  }
0x2a: {  	v22 =	vld [tilespmem:s26+$0xFFFFF030]  }
0x2b: {  	v23 =	vld [tilespmem:s26+$0xFFFFF430]  }
0x2c: {  	v24 =	vld [tilespmem:s26+$0x30]  }
0x2d: {  	v25 =	vld [tilespmem:s26+$0x430]  }
0x2e: {  	v26 =	vld [tilespmem:s26+$0x1030]  }
0x2f: {  	v27 =	vld [tilespmem:s26+$0x1430]  }
0x30: {  	v28 =	vld [tilespmem:s26+$0x830]  }
0x31: {  	v29 =	vld [tilespmem:s26+$0x1830]  }
0x32: {  	v30 =	vld [tilespmem:s26+$0xC30]  }
0x33: {  	v31 =	vld [tilespmem:s26+$0x1C30]  }
0x34: {  	v32 =	vld [tilespmem:s26+$0xFFFFE400]  }
0x35: {  	v33 =	vld [tilespmem:s26+$0xFFFFF000];
	v2 =	vbroadcast v17, $0x0  }
0x36: {  	v34 =	vld [tilespmem:s26+$0xFFFFF400];
	v3 =	vbroadcast v17, $0x1;
	v4 =	vbroadcast v17, $0x2  }
0x37: {  	v35 =	vld [tilespmem:s26+$0x0];
	v5 =	vbroadcast v17, $0x3;
	v6 =	vbroadcast v17, $0x4  }
0x38: {  	v36 =	vld [tilespmem:s26+$0x400];
	v7 =	vbroadcast v17, $0x5;
	v8 =	vbroadcast v17, $0x6  }
0x39: {  	v37 =	vld [tilespmem:s26+$0x1000];
	v9 =	vbroadcast v17, $0x7;
	v10 =	vbroadcast v17, $0x8  }
0x3a: {  	v38 =	vld [tilespmem:s26+$0x1400];
	v11 =	vbroadcast v17, $0x9;
	v12 =	vbroadcast v17, $0xA  }
0x3b: {  	v39 =	vld [tilespmem:s26+$0xFFFFE010];
	v13 =	vbroadcast v17, $0xC;
	v14 =	vbroadcast v17, $0xD  }
0x3c: {  	v40 =	vld [tilespmem:s26+$0xFFFFE410];
	v15 =	vmul.f32 v15, v2;
	v21 =	vmul.f32 v21, v3  }
0x3d: {  	v41 =	vld [tilespmem:s26+$0xFFFFF010];
	v22 =	vmul.f32 v22, v6;
	v23 =	vmul.f32 v23, v7  }
0x3e: {  	v42 =	vld [tilespmem:s26+$0xFFFFF410];
	v24 =	vmul.f32 v24, v10;
	v25 =	vmul.f32 v25, v11  }
0x3f: {  	v43 =	vld [tilespmem:s26+$0x10];
	v26 =	vmul.f32 v26, v13;
	v27 =	vmul.f32 v27, v14  }
0x40: {  	v44 =	vld [tilespmem:s26+$0x410];
	v47 =	vmul.f32 v16, v4;
	v20 =	vmul.f32 v20, v8  }
0x41: {  	v45 =	vld [tilespmem:s26+$0x1010];
	v16 =	vbroadcast v17, $0xB;
	v18 =	vmul.f32 v18, v5  }
0x42: {  	v46 =	vld [tilespmem:s26+$0x1410];
	v19 =	vmul.f32 v19, v9;
	v32 =	vmul.f32 v32, v3  }
0x43: {  	v50 =	vld [tilespmem:s26+$0xFFFFF800];
	v48 =	vmul.f32 v35, v10;
	v49 =	vmul.f32 v37, v13  }
0x44: {  	v52 =	vld [tilespmem:s26+$0x800];
	v51 =	vmul.f32 v39, v2;
	v53 =	vmul.f32 v40, v3  }
0x45: {  	v55 =	vld [tilespmem:s26+$0x1800];
	v54 =	vmul.f32 v41, v6;
	v56 =	vmul.f32 v42, v7  }
0x46: {  	v58 =	vld [tilespmem:s26+$0xFFFFE810];
	v57 =	vmul.f32 v43, v10;
	v59 =	vmul.f32 v44, v11  }
0x47: {  	v61 =	vld [tilespmem:s26+$0xFFFFF810];
	v60 =	vmul.f32 v45, v13;
	v62 =	vmul.f32 v46, v14  }
0x48: {  	v21 =	vadd.f32 v21, v15;
	v15 =	vbroadcast v17, $0xE;
	v22 =	vadd.f32 v23, v22;
	v23 =	vld [tilespmem:s26+$0xFFFFE020]  }
0x49: {  	v24 =	vadd.f32 v25, v24;
	v25 =	vadd.f32 v27, v26;
	v26 =	vld [tilespmem:s26+$0xFFFFE420];
	v27 =	vmul.f32 v28, v12  }
0x4a: {  	v28 =	vld [tilespmem:s26+$0xFFFFF020];
	v17 =	vbroadcast v17, $0xF;
	v21 =	vadd.f32 v47, v21;
	v29 =	vmul.f32 v29, v15  }
0x4b: {  	v30 =	vmul.f32 v30, v16;
	v20 =	vadd.f32 v20, v22;
	v22 =	vld [tilespmem:s26+$0xFFFFF420];
	v24 =	vadd.f32 v27, v24  }
0x4c: {  	v27 =	vld [tilespmem:s26+$0x20];
	v25 =	vadd.f32 v29, v25;
	v29 =	vmul.f32 v31, v17;
	v18 =	vadd.f32 v18, v21  }
0x4d: {  	v31 =	vld [tilespmem:s26+$0x420];
	v19 =	vadd.f32 v19, v20;
	v21 =	vadd.f32 v30, v24;
	v30 =	vmul.f32 v34, v7  }
0x4e: {  	v20 =	vld [tilespmem:s26+$0x1020];
	v34 =	vadd.f32 v56, v54;
	v23 =	vmul.f32 v23, v2;
	v26 =	vmul.f32 v26, v3  }
0x4f: {  	v28 =	vmul.f32 v28, v6;
	v24 =	vadd.f32 v29, v25;
	v18 =	vadd.f32 v19, v18;
	v19 =	vld [tilespmem:s26+$0xFFFFE000]  }
0x50: {  	v25 =	vld [tilespmem:s26+$0x1420];
	v29 =	vmul.f32 v33, v6;
	v33 =	vadd.f32 v53, v51;
	v53 =	vmul.f32 v61, v8  }
0x51: {  	v22 =	vmul.f32 v22, v7;
	v27 =	vmul.f32 v27, v10;
	v21 =	vadd.f32 v24, v21;
	v24 =	vld [tilespmem:s26+$0xFFFFE800]  }
0x52: {  	v63 =	vld [tilespmem:s26+$0x810];
	v23 =	vadd.f32 v26, v23;
	v29 =	vadd.f32 v30, v29;
	v30 =	vmul.f32 v36, v11  }
0x53: {  	v51 =	vld [tilespmem:s26+$0x1820];
	v36 =	vadd.f32 v59, v57;
	v57 =	vadd.f32 v53, v34;
	v26 =	vmul.f32 v31, v11  }
0x54: {  	v31 =	vld [tilespmem:s26+$0xFFFFF820];
	v18 =	vadd.f32 v21, v18;
	v21 =	vmul.f32 v38, v14;
	v19 =	vmul.f32 v19, v2  }
0x55: {  	v20 =	vmul.f32 v20, v13;
	v30 =	vadd.f32 v30, v48;
	v48 =	vld [tilespmem:s26+$0x1810];
	v25 =	vmul.f32 v25, v14  }
0x56: {  	v21 =	vadd.f32 v21, v49;
	v49 =	vld [tilespmem:s26+$0xFFFFE820];
	v24 =	vmul.f32 v24, v4;
	v19 =	vadd.f32 v32, v19  }
0x57: {  	v26 =	vadd.f32 v26, v27;
	v27 =	vld [tilespmem:s26+$0xFFFFEC00];
	v20 =	vadd.f32 v25, v20;
	v25 =	vmul.f32 v52, v12  }
0x58: {  	v22 =	vadd.f32 v22, v28;
	v28 =	vld [tilespmem:s26+$0x820];
	v19 =	vadd.f32 v24, v19;
	v24 =	vmul.f32 v55, v15  }
0x59: {  	v50 =	vmul.f32 v50, v8;
	v38 =	vadd.f32 v62, v60;
	v52 =	vld [tilespmem:s26+$0xFFFFFC00];
	v25 =	vadd.f32 v25, v30  }
0x5a: {  	v54 =	vld [tilespmem:s26+$0xC00];
	v30 =	vmul.f32 v58, v4;
	v55 =	vadd.f32 v24, v21;
	v24 =	vmul.f32 v48, v15  }
0x5b: {  	v56 =	vld [tilespmem:s26+$0x1C00];
	v29 =	vadd.f32 v50, v29;
	v21 =	vmul.f32 v63, v12;
	v58 =	vmul.f32 v49, v4  }
0x5c: {  	v27 =	vmul.f32 v27, v5;
	v38 =	vadd.f32 v24, v38;
	v24 =	vmul.f32 v31, v8;
	v31 =	vld [tilespmem:s26+$0xFFFFFC10]  }
0x5d: {  	v59 =	vld [tilespmem:s26+$0xFFFFEC10];
	v36 =	vadd.f32 v21, v36;
	v21 =	vadd.f32 v58, v23;
	v23 =	vmul.f32 v28, v12  }
0x5e: {  	v60 =	vld [tilespmem:s26+$0xC10];
	v32 =	vmul.f32 v52, v9;
	v19 =	vadd.f32 v27, v19;
	v28 =	vmul.f32 v51, v15  }
0x5f: {  	v61 =	vld [tilespmem:s26+$0x1C10];
	v22 =	vadd.f32 v24, v22;
	v23 =	vadd.f32 v23, v26  }
0x60: {  	v62 =	vld [tilespmem:s26+$0xFFFFEC20];
	v24 =	vadd.f32 v28, v20;
	v20 =	vmul.f32 v54, v16;
	v26 =	vadd.f32 v32, v29  }
0x61: {  	v30 =	vadd.f32 v30, v33;
	v63 =	vld [tilespmem:s26+$0xFFFFFC20];
	v27 =	vmul.f32 v56, v17;
	v29 =	vmul.f32 v31, v9  }
0x62: {  	v28 =	vmul.f32 v59, v5;
	v20 =	vadd.f32 v20, v25;
	v25 =	vadd.f32 v26, v19;
	v26 =	vld [tilespmem:s26+$0xC20]  }
0x63: {  	s28 =	simm.s32 $0x400;
	v27 =	vadd.f32 v27, v55;
	v19 =	vmul.f32 v60, v16;
	v33 =	vadd.f32 v29, v57;
	v29 =	vld [tilespmem:s26+$0x1C20]  }
0x64: {  	[tilespmem:s28+$0x30] =	vst.add.f32.msk $0xffff, v18;
	v18 =	vadd.f32 v28, v30;
	v30 =	vmul.f32 v61, v17  }
0x65: {  	v31 =	vmul.f32 v62, v5;
	v27 =	vadd.f32 v27, v20;
	v28 =	vadd.f32 v19, v36  }
0x66: {  	s29 =	simm.s32 $0x0;
	s30 =	simm.s32 $0x2840;
	v32 =	vmul.f32 v63, v9;
	v30 =	vadd.f32 v30, v38;
	s26 =	simm.s32 $0x400;
	v19 =	vadd.f32 v33, v18  }
.LBB2_3:
0x67: {  	v33 =	vld [tilespmem:s30+$0xFFFFEC30];
	v18 =	vadd.f32 v27, v25;
	v20 =	vadd.f32 v31, v21;
	v21 =	vmul.f32 v26, v16  }
0x68: {  	v25 =	vld [tilespmem:s30+$0xFFFFFC30];
	v26 =	vadd.f32 v30, v28;
	v22 =	vadd.f32 v32, v22;
	v27 =	vmul.f32 v29, v17  }
0x69: {  	v28 =	vld [tilespmem:s30+$0xFFFFE830];
	v21 =	vadd.f32 v21, v23  }
0x6a: {  	v23 =	vld [tilespmem:s30+$0xFFFFF830];
	v24 =	vadd.f32 v27, v24;
	v20 =	vadd.f32 v22, v20  }
0x6b: {  	v19 =	vadd.f32 v26, v19;
	v22 =	vld [tilespmem:s30+$0xFFFFE030]  }
0x6c: {  	v26 =	vld [tilespmem:s30+$0xFFFFE430];
	v21 =	vadd.f32 v24, v21  }
0x6d: {  	v24 =	vld [tilespmem:s30+$0xFFFFF030]  }
0x6e: {  	v27 =	vld [tilespmem:s30+$0xFFFFF430];
	v20 =	vadd.f32 v21, v20  }
0x6f: {  	v21 =	vld [tilespmem:s30+$0x30]  }
0x70: {  	v29 =	vld [tilespmem:s30+$0x430]  }
0x71: {  	v30 =	vld [tilespmem:s30+$0x1030]  }
0x72: {  	s29 =	sadd.s32 $0x4, s29;
	v31 =	vmul.f32 v33, v5;
	v25 =	vmul.f32 v25, v9;
	v32 =	vld [tilespmem:s30+$0x1430]  }
0x73: {  	p0 =	slt.u32 s29, $0x3C;
	v28 =	vmul.f32 v28, v4;
	v23 =	vmul.f32 v23, v8;
	v33 =	vld [tilespmem:s30+$0x830]  }
0x74: {  	v22 =	vmul.f32 v22, v2;
	v26 =	vmul.f32 v26, v3;
	v34 =	vld [tilespmem:s30+$0x1830]  }
0x75: {  	v24 =	vmul.f32 v24, v6;
	v27 =	vmul.f32 v27, v7;
	v35 =	vld [tilespmem:s30+$0xC30]  }
0x76: {  	v21 =	vmul.f32 v21, v10;
	v29 =	vmul.f32 v29, v11;
	v36 =	vld [tilespmem:s30+$0x1C30]  }
0x77: {  	v30 =	vmul.f32 v30, v13;
	v37 =	vld [tilespmem:s30+$0xFFFFE400];
	v32 =	vmul.f32 v32, v14  }
0x78: {  	v22 =	vadd.f32 v26, v22;
	v24 =	vadd.f32 v27, v24;
	v38 =	vld [tilespmem:s30+$0xFFFFF000];
	v26 =	vmul.f32 v33, v12  }
0x79: {  	v21 =	vadd.f32 v29, v21;
	v27 =	vld [tilespmem:s30+$0xFFFFF400];
	v29 =	vadd.f32 v32, v30;
	v30 =	vmul.f32 v34, v15  }
0x7a: {  	v22 =	vadd.f32 v28, v22;
	v23 =	vadd.f32 v23, v24;
	v32 =	vld [tilespmem:s30+$0x0];
	v24 =	vmul.f32 v35, v16  }
0x7b: {  	v21 =	vadd.f32 v26, v21;
	v28 =	vld [tilespmem:s30+$0x400];
	v26 =	vadd.f32 v30, v29;
	v29 =	vmul.f32 v36, v17  }
0x7c: {  	v22 =	vadd.f32 v31, v22;
	v23 =	vadd.f32 v25, v23;
	v30 =	vmul.f32 v37, v3;
	v33 =	vld [tilespmem:s30+$0x1000]  }
0x7d: {  	v21 =	vadd.f32 v24, v21;
	v25 =	vmul.f32 v38, v6;
	v31 =	vld [tilespmem:s30+$0x1400];
	v24 =	vadd.f32 v29, v26  }
0x7e: {  	v26 =	vmul.f32 v27, v7;
	v27 =	vld [tilespmem:s30+$0xFFFFE010]  }
0x7f: {  	v22 =	vadd.f32 v23, v22;
	v29 =	vmul.f32 v32, v10;
	v32 =	vld [tilespmem:s30+$0xFFFFE410];
	v21 =	vadd.f32 v24, v21  }
0x80: {  	v23 =	vadd.f32 v26, v25;
	v24 =	vmul.f32 v28, v11;
	v25 =	vld [tilespmem:s30+$0xFFFFF010]  }
0x81: {  	v26 =	vmul.f32 v33, v13;
	v28 =	vld [tilespmem:s30+$0xFFFFF410];
	v21 =	vadd.f32 v21, v22  }
0x82: {  	s28 =	sadd.s32 $0x40, s28;
	v22 =	vadd.f32 v24, v29;
	v24 =	vmul.f32 v31, v14;
	v29 =	vld [tilespmem:s30+$0x10]  }
0x83: {  	v27 =	vmul.f32 v27, v2;
	[tilespmem:s28+$0x30] =	vst.add.f32.msk $0xffff, v21  }
0x84: {  	v21 =	vadd.f32 v24, v26;
	v24 =	vmul.f32 v32, v3;
	v26 =	vld [tilespmem:s30+$0x410]  }
0x85: {  	v25 =	vmul.f32 v25, v6;
	v31 =	vld [tilespmem:s30+$0x1010]  }
0x86: {  	v24 =	vadd.f32 v24, v27;
	v27 =	vmul.f32 v28, v7;
	v28 =	vld [tilespmem:s30+$0x1410]  }
0x87: {  	v29 =	vmul.f32 v29, v10;
	v32 =	vld [tilespmem:s30+$0xFFFFE020]  }
0x88: {  	v25 =	vadd.f32 v27, v25;
	v27 =	vld [tilespmem:s30+$0xFFFFE420]  }
0x89: {  	v26 =	vmul.f32 v26, v11;
	v33 =	vld [tilespmem:s30+$0xFFFFF020]  }
0x8a: {  	v31 =	vmul.f32 v31, v13;
	v34 =	vld [tilespmem:s30+$0xFFFFF420]  }
0x8b: {  	v26 =	vadd.f32 v26, v29;
	v28 =	vmul.f32 v28, v14;
	v29 =	vld [tilespmem:s30+$0x20]  }
0x8c: {  	v32 =	vmul.f32 v32, v2;
	v35 =	vld [tilespmem:s30+$0x420]  }
0x8d: {  	v28 =	vadd.f32 v28, v31;
	v27 =	vmul.f32 v27, v3;
	v31 =	vld [tilespmem:s30+$0x1020]  }
0x8e: {  	v33 =	vmul.f32 v33, v6;
	v36 =	vld [tilespmem:s30+$0x1420]  }
0x8f: {  	v37 =	vld [tilespmem:s30+$0xFFFFE000];
	v27 =	vadd.f32 v27, v32;
	v32 =	vmul.f32 v34, v7  }
0x90: {  	v34 =	vld [tilespmem:s30+$0xFFFFE800];
	v29 =	vmul.f32 v29, v10  }
0x91: {  	v38 =	vld [tilespmem:s30+$0xFFFFF800];
	v32 =	vadd.f32 v32, v33;
	v33 =	vmul.f32 v35, v11  }
0x92: {  	v35 =	vld [tilespmem:s30+$0x800];
	v31 =	vmul.f32 v31, v13  }
0x93: {  	v39 =	vld [tilespmem:s30+$0x1800];
	v29 =	vadd.f32 v33, v29;
	v33 =	vmul.f32 v36, v14  }
0x94: {  	v36 =	vmul.f32 v37, v2;
	v37 =	vld [tilespmem:s30+$0xFFFFE810]  }
0x95: {  	v34 =	vmul.f32 v34, v4;
	v40 =	vld [tilespmem:s30+$0xFFFFF810];
	v31 =	vadd.f32 v33, v31  }
0x96: {  	v30 =	vadd.f32 v30, v36;
	v33 =	vmul.f32 v38, v8;
	v36 =	vld [tilespmem:s30+$0x810]  }
0x97: {  	v35 =	vmul.f32 v35, v12;
	v38 =	vld [tilespmem:s30+$0x1810]  }
0x98: {  	v30 =	vadd.f32 v34, v30;
	v33 =	vadd.f32 v33, v23;
	v23 =	vmul.f32 v39, v15;
	v34 =	vld [tilespmem:s30+$0xFFFFE820]  }
0x99: {  	v35 =	vadd.f32 v35, v22;
	v22 =	vmul.f32 v37, v4;
	v37 =	vld [tilespmem:s30+$0xFFFFF820]  }
0x9a: {  	v39 =	vadd.f32 v23, v21;
	v21 =	vmul.f32 v40, v8;
	v23 =	vld [tilespmem:s30+$0x820]  }
0x9b: {  	v40 =	vadd.f32 v22, v24;
	v22 =	vmul.f32 v36, v12;
	v24 =	vld [tilespmem:s30+$0x1820]  }
0x9c: {  	v36 =	vld [tilespmem:s30+$0xFFFFEC00];
	v41 =	vadd.f32 v21, v25;
	v21 =	vmul.f32 v38, v15  }
0x9d: {  	v25 =	vld [tilespmem:s30+$0xFFFFFC00];
	v38 =	vadd.f32 v22, v26;
	v22 =	vmul.f32 v34, v4  }
0x9e: {  	v26 =	vld [tilespmem:s30+$0xC00];
	v34 =	vadd.f32 v21, v28;
	v28 =	vmul.f32 v37, v8  }
0x9f: {  	v37 =	vld [tilespmem:s30+$0x1C00];
	v21 =	vadd.f32 v22, v27;
	v23 =	vmul.f32 v23, v12  }
0xa0: {  	v27 =	vld [tilespmem:s30+$0xFFFFEC10];
	v22 =	vadd.f32 v28, v32;
	v24 =	vmul.f32 v24, v15  }
0xa1: {  	v28 =	vmul.f32 v36, v5;
	v32 =	vld [tilespmem:s30+$0xFFFFFC10];
	v23 =	vadd.f32 v23, v29  }
0xa2: {  	v25 =	vmul.f32 v25, v9;
	v29 =	vld [tilespmem:s30+$0xC10];
	v24 =	vadd.f32 v24, v31  }
0xa3: {  	v28 =	vadd.f32 v28, v30;
	v26 =	vmul.f32 v26, v16;
	v30 =	vld [tilespmem:s30+$0x1C10]  }
0xa4: {  	v25 =	vadd.f32 v25, v33;
	v31 =	vmul.f32 v37, v17;
	v33 =	vld [tilespmem:s30+$0xFFFFEC20]  }
0xa5: {  	v35 =	vadd.f32 v26, v35;
	v27 =	vmul.f32 v27, v5;
	v36 =	vld [tilespmem:s30+$0xFFFFFC20]  }
.Ltmp0:
0xa6: {  	v31 =	vadd.f32 v31, v39;
	v25 =	vadd.f32 v25, v28;
	v28 =	vmul.f32 v32, v9;
	v26 =	vld [tilespmem:s30+$0xC20];
	(pc) =	sbr.rel @p0 .LBB2_3-.Ltmp0, $4  }
0xa7: {  	v32 =	vadd.f32 v27, v40;
	v37 =	vmul.f32 v29, v16;
	v29 =	vld [tilespmem:s30+$0x1C20]  }
0xa8: {  	v27 =	vadd.f32 v31, v35;
	v35 =	vadd.f32 v28, v41;
	v30 =	vmul.f32 v30, v17;
	[tilespmem:s26+$0x0] =	vst.add.f32.msk $0xffff, v18  }
0xa9: {  	v28 =	vadd.f32 v37, v38;
	v31 =	vmul.f32 v33, v5;
	[tilespmem:s26+$0x10] =	vst.add.f32.msk $0xffff, v19  }
0xaa: {  	s30 =	sadd.s32 $0x40, s30;
	v30 =	vadd.f32 v30, v34;
	v19 =	vadd.f32 v35, v32;
	v32 =	vmul.f32 v36, v9;
	[tilespmem:s26+$0x20] =	vst.add.f32.msk $0xffff, v20;
	s26 =	smov.u32 s28  }
0xab: {  	_ = 	snop  }
0xac: {  	v2 =	vmul.f32 v26, v16;
	v3 =	vmul.f32 v29, v17  }
0xad: {  	v4 =	vadd.f32 v31, v21;
	v5 =	vadd.f32 v32, v22  }
0xae: {  	v2 =	vadd.f32 v2, v23;
	v3 =	vadd.f32 v3, v24  }
0xaf: {  	p0 =	seq.s32 s24, $0x1F;
	v6 =	vadd.f32 v27, v25;
	v7 =	vadd.f32 v30, v28  }
0xb0: {  	s28 =	smul.u32 @!p0 $0x30D400, s24;
	v4 =	vadd.f32 v5, v4;
	v2 =	vadd.f32 v3, v2  }
0xb1: {  	v3 =	vadd.f32 v7, v19  }
0xb2: {  	[tilespmem:s26+$0x0] =	vst.add.f32.msk $0xffff, v6;
	s28 =	sadd.s32 @!p0 s28, s9;
	v2 =	vadd.f32 v2, v4  }
0xb3: {  	s29 =	simm.s32 @!p0 $0x186A0;
	s28 =	sshrl.u32 @!p0 s28, $0x3;
	[tilespmem:s26+$0x10] =	vst.add.f32.msk $0xffff, v3  }
0xb4: {  	s30 =	simm.s32 @!p0 $0x800;
	s28 =	sadd.s32 @!p0 s4, s28;
	[tilespmem:s26+$0x20] =	vst.add.f32.msk $0xffff, v2;
	s26 =	simm.s32 @!p0 $0x400  }
0xb5: {  	[tilespmem:s30], [sflag:$0x1] =	stream.strided.gather @!p0 [hbm4b:s28+s26], $0x4000, s29, s26, $0x38;
	[tilespmem:$0x8820] =	vst v63  }
0xb6: {  	_ =	swait.ge [sflag:s20], $0x4000  }
0xb7: {  	[sflag:s20] =	ssyncset.done $0x0  }
0xb8: {  	[sflag:s20] =	ssyncadd.s32 $0xFFFFC000  }
0xb9: {  	s31 =	simm.s32 $0x6800;
	v17 =	vld [tilespmem:s25+$0x10]  }
0xba: {  	v18 =	vld [tilespmem:s31+$0xFFFFEC30]  }
0xbb: {  	v19 =	vld [tilespmem:s31+$0xFFFFFC30]  }
0xbc: {  	v16 =	vld [tilespmem:s31+$0xFFFFE830]  }
0xbd: {  	v20 =	vld [tilespmem:s31+$0xFFFFF830]  }
0xbe: {  	v15 =	vld [tilespmem:s31+$0xFFFFE030]  }
0xbf: {  	v21 =	vld [tilespmem:s31+$0xFFFFE430]  }
0xc0: {  	v22 =	vld [tilespmem:s31+$0xFFFFF030]  }
0xc1: {  	v23 =	vld [tilespmem:s31+$0xFFFFF430]  }
0xc2: {  	v24 =	vld [tilespmem:s31+$0x30]  }
0xc3: {  	v25 =	vld [tilespmem:s31+$0x430]  }
0xc4: {  	v26 =	vld [tilespmem:s31+$0x1030]  }
0xc5: {  	v27 =	vld [tilespmem:s31+$0x1430]  }
0xc6: {  	v28 =	vld [tilespmem:s31+$0x830]  }
0xc7: {  	v29 =	vld [tilespmem:s31+$0x1830]  }
0xc8: {  	v30 =	vld [tilespmem:s31+$0xC30]  }
0xc9: {  	v31 =	vld [tilespmem:s31+$0x1C30]  }
0xca: {  	v63 =	vld [tilespmem:s31+$0xFFFFE400]  }
0xcb: {  	v33 =	vld [tilespmem:s31+$0xFFFFF000];
	v2 =	vbroadcast v17, $0x0  }
0xcc: {  	v34 =	vld [tilespmem:s31+$0xFFFFF400];
	v3 =	vbroadcast v17, $0x1;
	v4 =	vbroadcast v17, $0x2  }
0xcd: {  	v35 =	vld [tilespmem:s31+$0x0];
	v5 =	vbroadcast v17, $0x3;
	v6 =	vbroadcast v17, $0x4  }
0xce: {  	v36 =	vld [tilespmem:s31+$0x400];
	v7 =	vbroadcast v17, $0x5;
	v8 =	vbroadcast v17, $0x6  }
0xcf: {  	v37 =	vld [tilespmem:s31+$0x1000];
	v9 =	vbroadcast v17, $0x7;
	v10 =	vbroadcast v17, $0x8  }
0xd0: {  	v38 =	vld [tilespmem:s31+$0x1400];
	v11 =	vbroadcast v17, $0x9;
	v12 =	vbroadcast v17, $0xA  }
0xd1: {  	v39 =	vld [tilespmem:s31+$0xFFFFE010];
	v13 =	vbroadcast v17, $0xC;
	v14 =	vbroadcast v17, $0xD  }
0xd2: {  	v40 =	vld [tilespmem:s31+$0xFFFFE410];
	v15 =	vmul.f32 v15, v2;
	v21 =	vmul.f32 v21, v3  }
0xd3: {  	v41 =	vld [tilespmem:s31+$0xFFFFF010];
	v22 =	vmul.f32 v22, v6;
	v23 =	vmul.f32 v23, v7  }
0xd4: {  	v42 =	vld [tilespmem:s31+$0xFFFFF410];
	v24 =	vmul.f32 v24, v10;
	v25 =	vmul.f32 v25, v11  }
0xd5: {  	v43 =	vld [tilespmem:s31+$0x10];
	v26 =	vmul.f32 v26, v13;
	v27 =	vmul.f32 v27, v14  }
0xd6: {  	v44 =	vld [tilespmem:s31+$0x410];
	v47 =	vmul.f32 v16, v4;
	v20 =	vmul.f32 v20, v8  }
0xd7: {  	v45 =	vld [tilespmem:s31+$0x1010];
	v16 =	vbroadcast v17, $0xB;
	v18 =	vmul.f32 v18, v5  }
0xd8: {  	v46 =	vld [tilespmem:s31+$0x1410];
	v19 =	vmul.f32 v19, v9;
	v32 =	vmul.f32 v63, v3  }
0xd9: {  	v50 =	vld [tilespmem:s31+$0xFFFFF800];
	v48 =	vmul.f32 v35, v10;
	v49 =	vmul.f32 v37, v13  }
0xda: {  	v52 =	vld [tilespmem:s31+$0x800];
	v51 =	vmul.f32 v39, v2;
	v53 =	vmul.f32 v40, v3  }
0xdb: {  	v55 =	vld [tilespmem:s31+$0x1800];
	v54 =	vmul.f32 v41, v6;
	v56 =	vmul.f32 v42, v7  }
0xdc: {  	v58 =	vld [tilespmem:s31+$0xFFFFE810];
	v57 =	vmul.f32 v43, v10;
	v59 =	vmul.f32 v44, v11  }
0xdd: {  	v61 =	vld [tilespmem:s31+$0xFFFFF810];
	v60 =	vmul.f32 v45, v13;
	v62 =	vmul.f32 v46, v14  }
0xde: {  	v21 =	vadd.f32 v21, v15;
	v15 =	vbroadcast v17, $0xE;
	v22 =	vadd.f32 v23, v22;
	v23 =	vld [tilespmem:s31+$0xFFFFE020]  }
0xdf: {  	v24 =	vadd.f32 v25, v24;
	v25 =	vadd.f32 v27, v26;
	v26 =	vld [tilespmem:s31+$0xFFFFE420];
	v27 =	vmul.f32 v28, v12  }
0xe0: {  	v28 =	vld [tilespmem:s31+$0xFFFFF020];
	v17 =	vbroadcast v17, $0xF;
	v21 =	vadd.f32 v47, v21;
	v29 =	vmul.f32 v29, v15  }
0xe1: {  	v30 =	vmul.f32 v30, v16;
	v20 =	vadd.f32 v20, v22;
	v22 =	vld [tilespmem:s31+$0xFFFFF420];
	v24 =	vadd.f32 v27, v24  }
0xe2: {  	v27 =	vld [tilespmem:s31+$0x20];
	v25 =	vadd.f32 v29, v25;
	v29 =	vmul.f32 v31, v17;
	v18 =	vadd.f32 v18, v21  }
0xe3: {  	v31 =	vld [tilespmem:s31+$0x420];
	v19 =	vadd.f32 v19, v20;
	v21 =	vadd.f32 v30, v24;
	v30 =	vmul.f32 v34, v7  }
0xe4: {  	v20 =	vld [tilespmem:s31+$0x1020];
	v34 =	vadd.f32 v56, v54;
	v23 =	vmul.f32 v23, v2;
	v26 =	vmul.f32 v26, v3  }
0xe5: {  	v28 =	vmul.f32 v28, v6;
	v24 =	vadd.f32 v29, v25;
	v18 =	vadd.f32 v19, v18;
	v19 =	vld [tilespmem:s31+$0xFFFFE000]  }
0xe6: {  	v25 =	vld [tilespmem:s31+$0x1420];
	v29 =	vmul.f32 v33, v6;
	v33 =	vadd.f32 v53, v51;
	v53 =	vmul.f32 v61, v8  }
0xe7: {  	v22 =	vmul.f32 v22, v7;
	v27 =	vmul.f32 v27, v10;
	v21 =	vadd.f32 v24, v21;
	v24 =	vld [tilespmem:s31+$0xFFFFE800]  }
0xe8: {  	v63 =	vld [tilespmem:s31+$0x810];
	v23 =	vadd.f32 v26, v23;
	v29 =	vadd.f32 v30, v29;
	v30 =	vmul.f32 v36, v11  }
0xe9: {  	v51 =	vld [tilespmem:s31+$0x1820];
	v36 =	vadd.f32 v59, v57;
	v57 =	vadd.f32 v53, v34;
	v26 =	vmul.f32 v31, v11  }
0xea: {  	v31 =	vld [tilespmem:s31+$0xFFFFF820];
	v18 =	vadd.f32 v21, v18;
	v21 =	vmul.f32 v38, v14;
	v19 =	vmul.f32 v19, v2  }
0xeb: {  	v20 =	vmul.f32 v20, v13;
	v30 =	vadd.f32 v30, v48;
	v48 =	vld [tilespmem:s31+$0x1810];
	v25 =	vmul.f32 v25, v14  }
0xec: {  	v21 =	vadd.f32 v21, v49;
	v49 =	vld [tilespmem:s31+$0xFFFFE820];
	v24 =	vmul.f32 v24, v4;
	v19 =	vadd.f32 v32, v19  }
0xed: {  	v26 =	vadd.f32 v26, v27;
	v27 =	vld [tilespmem:s31+$0xFFFFEC00];
	v20 =	vadd.f32 v25, v20;
	v25 =	vmul.f32 v52, v12  }
0xee: {  	v22 =	vadd.f32 v22, v28;
	v28 =	vld [tilespmem:s31+$0x820];
	v19 =	vadd.f32 v24, v19;
	v24 =	vmul.f32 v55, v15  }
0xef: {  	v50 =	vmul.f32 v50, v8;
	v38 =	vadd.f32 v62, v60;
	v52 =	vld [tilespmem:s31+$0xFFFFFC00];
	v25 =	vadd.f32 v25, v30  }
0xf0: {  	v54 =	vld [tilespmem:s31+$0xC00];
	v30 =	vmul.f32 v58, v4;
	v55 =	vadd.f32 v24, v21;
	v24 =	vmul.f32 v48, v15  }
0xf1: {  	v56 =	vld [tilespmem:s31+$0x1C00];
	v29 =	vadd.f32 v50, v29;
	v21 =	vmul.f32 v63, v12;
	v58 =	vmul.f32 v49, v4  }
0xf2: {  	v27 =	vmul.f32 v27, v5;
	v38 =	vadd.f32 v24, v38;
	v24 =	vmul.f32 v31, v8;
	v31 =	vld [tilespmem:s31+$0xFFFFFC10]  }
0xf3: {  	v59 =	vld [tilespmem:s31+$0xFFFFEC10];
	v36 =	vadd.f32 v21, v36;
	v21 =	vadd.f32 v58, v23;
	v23 =	vmul.f32 v28, v12  }
0xf4: {  	v60 =	vld [tilespmem:s31+$0xC10];
	v32 =	vmul.f32 v52, v9;
	v19 =	vadd.f32 v27, v19;
	v28 =	vmul.f32 v51, v15  }
0xf5: {  	v61 =	vld [tilespmem:s31+$0x1C10];
	v22 =	vadd.f32 v24, v22;
	v23 =	vadd.f32 v23, v26  }
0xf6: {  	v62 =	vld [tilespmem:s31+$0xFFFFEC20];
	v24 =	vadd.f32 v28, v20;
	v20 =	vmul.f32 v54, v16;
	v26 =	vadd.f32 v32, v29  }
0xf7: {  	v30 =	vadd.f32 v30, v33;
	v63 =	vld [tilespmem:s31+$0xFFFFFC20];
	v27 =	vmul.f32 v56, v17;
	v29 =	vmul.f32 v31, v9  }
0xf8: {  	v28 =	vmul.f32 v59, v5;
	v20 =	vadd.f32 v20, v25;
	v25 =	vadd.f32 v26, v19;
	v26 =	vld [tilespmem:s31+$0xC20]  }
0xf9: {  	s25 =	simm.s32 $0x400;
	v27 =	vadd.f32 v27, v55;
	v19 =	vmul.f32 v60, v16;
	v33 =	vadd.f32 v29, v57;
	v29 =	vld [tilespmem:s31+$0x1C20]  }
0xfa: {  	[tilespmem:s25+$0x30] =	vst.add.f32.msk $0xffff, v18;
	v18 =	vadd.f32 v28, v30;
	v30 =	vmul.f32 v61, v17  }
0xfb: {  	v31 =	vmul.f32 v62, v5;
	v27 =	vadd.f32 v27, v20;
	v28 =	vadd.f32 v19, v36  }
0xfc: {  	s28 =	simm.s32 $0x0;
	s29 =	simm.s32 $0x6840;
	s26 =	simm.s32 $0x400;
	v32 =	vmul.f32 v63, v9;
	v30 =	vadd.f32 v30, v38;
	v19 =	vadd.f32 v33, v18  }
.LBB2_5:
0xfd: {  	v33 =	vld [tilespmem:s29+$0xFFFFEC30];
	v18 =	vadd.f32 v27, v25;
	v20 =	vadd.f32 v31, v21;
	v21 =	vmul.f32 v26, v16  }
0xfe: {  	v25 =	vld [tilespmem:s29+$0xFFFFFC30];
	v26 =	vadd.f32 v30, v28;
	v22 =	vadd.f32 v32, v22;
	v27 =	vmul.f32 v29, v17  }
0xff: {  	v28 =	vld [tilespmem:s29+$0xFFFFE830];
	v21 =	vadd.f32 v21, v23  }
0x100: {  	v23 =	vld [tilespmem:s29+$0xFFFFF830];
	v24 =	vadd.f32 v27, v24;
	v20 =	vadd.f32 v22, v20  }
0x101: {  	v19 =	vadd.f32 v26, v19;
	v22 =	vld [tilespmem:s29+$0xFFFFE030]  }
0x102: {  	v26 =	vld [tilespmem:s29+$0xFFFFE430];
	v21 =	vadd.f32 v24, v21  }
0x103: {  	v24 =	vld [tilespmem:s29+$0xFFFFF030]  }
0x104: {  	v27 =	vld [tilespmem:s29+$0xFFFFF430];
	v20 =	vadd.f32 v21, v20  }
0x105: {  	v21 =	vld [tilespmem:s29+$0x30]  }
0x106: {  	v29 =	vld [tilespmem:s29+$0x430]  }
0x107: {  	v30 =	vld [tilespmem:s29+$0x1030]  }
0x108: {  	s28 =	sadd.s32 $0x4, s28;
	v31 =	vmul.f32 v33, v5;
	v25 =	vmul.f32 v25, v9;
	v32 =	vld [tilespmem:s29+$0x1430]  }
0x109: {  	p1 =	slt.u32 s28, $0x3C;
	v28 =	vmul.f32 v28, v4;
	v23 =	vmul.f32 v23, v8;
	v33 =	vld [tilespmem:s29+$0x830]  }
0x10a: {  	v22 =	vmul.f32 v22, v2;
	v26 =	vmul.f32 v26, v3;
	v34 =	vld [tilespmem:s29+$0x1830]  }
0x10b: {  	v24 =	vmul.f32 v24, v6;
	v27 =	vmul.f32 v27, v7;
	v35 =	vld [tilespmem:s29+$0xC30]  }
0x10c: {  	v21 =	vmul.f32 v21, v10;
	v29 =	vmul.f32 v29, v11;
	v36 =	vld [tilespmem:s29+$0x1C30]  }
0x10d: {  	v30 =	vmul.f32 v30, v13;
	v37 =	vld [tilespmem:s29+$0xFFFFE400];
	v32 =	vmul.f32 v32, v14  }
0x10e: {  	v22 =	vadd.f32 v26, v22;
	v24 =	vadd.f32 v27, v24;
	v38 =	vld [tilespmem:s29+$0xFFFFF000];
	v26 =	vmul.f32 v33, v12  }
0x10f: {  	v21 =	vadd.f32 v29, v21;
	v27 =	vld [tilespmem:s29+$0xFFFFF400];
	v29 =	vadd.f32 v32, v30;
	v30 =	vmul.f32 v34, v15  }
0x110: {  	v22 =	vadd.f32 v28, v22;
	v23 =	vadd.f32 v23, v24;
	v32 =	vld [tilespmem:s29+$0x0];
	v24 =	vmul.f32 v35, v16  }
0x111: {  	v21 =	vadd.f32 v26, v21;
	v28 =	vld [tilespmem:s29+$0x400];
	v26 =	vadd.f32 v30, v29;
	v29 =	vmul.f32 v36, v17  }
0x112: {  	v22 =	vadd.f32 v31, v22;
	v23 =	vadd.f32 v25, v23;
	v30 =	vmul.f32 v37, v3;
	v33 =	vld [tilespmem:s29+$0x1000]  }
0x113: {  	v21 =	vadd.f32 v24, v21;
	v25 =	vmul.f32 v38, v6;
	v31 =	vld [tilespmem:s29+$0x1400];
	v24 =	vadd.f32 v29, v26  }
0x114: {  	v26 =	vmul.f32 v27, v7;
	v27 =	vld [tilespmem:s29+$0xFFFFE010]  }
0x115: {  	v22 =	vadd.f32 v23, v22;
	v29 =	vmul.f32 v32, v10;
	v32 =	vld [tilespmem:s29+$0xFFFFE410];
	v21 =	vadd.f32 v24, v21  }
0x116: {  	v23 =	vadd.f32 v26, v25;
	v24 =	vmul.f32 v28, v11;
	v25 =	vld [tilespmem:s29+$0xFFFFF010]  }
0x117: {  	v26 =	vmul.f32 v33, v13;
	v28 =	vld [tilespmem:s29+$0xFFFFF410];
	v21 =	vadd.f32 v21, v22  }
0x118: {  	s25 =	sadd.s32 $0x40, s25;
	v22 =	vadd.f32 v24, v29;
	v24 =	vmul.f32 v31, v14;
	v29 =	vld [tilespmem:s29+$0x10]  }
0x119: {  	v27 =	vmul.f32 v27, v2;
	[tilespmem:s25+$0x30] =	vst.add.f32.msk $0xffff, v21  }
0x11a: {  	v21 =	vadd.f32 v24, v26;
	v24 =	vmul.f32 v32, v3;
	v26 =	vld [tilespmem:s29+$0x410]  }
0x11b: {  	v25 =	vmul.f32 v25, v6;
	v31 =	vld [tilespmem:s29+$0x1010]  }
0x11c: {  	v24 =	vadd.f32 v24, v27;
	v27 =	vmul.f32 v28, v7;
	v28 =	vld [tilespmem:s29+$0x1410]  }
0x11d: {  	v29 =	vmul.f32 v29, v10;
	v32 =	vld [tilespmem:s29+$0xFFFFE020]  }
0x11e: {  	v25 =	vadd.f32 v27, v25;
	v27 =	vld [tilespmem:s29+$0xFFFFE420]  }
0x11f: {  	v26 =	vmul.f32 v26, v11;
	v33 =	vld [tilespmem:s29+$0xFFFFF020]  }
0x120: {  	v31 =	vmul.f32 v31, v13;
	v34 =	vld [tilespmem:s29+$0xFFFFF420]  }
0x121: {  	v26 =	vadd.f32 v26, v29;
	v28 =	vmul.f32 v28, v14;
	v29 =	vld [tilespmem:s29+$0x20]  }
0x122: {  	v32 =	vmul.f32 v32, v2;
	v35 =	vld [tilespmem:s29+$0x420]  }
0x123: {  	v28 =	vadd.f32 v28, v31;
	v27 =	vmul.f32 v27, v3;
	v31 =	vld [tilespmem:s29+$0x1020]  }
0x124: {  	v33 =	vmul.f32 v33, v6;
	v36 =	vld [tilespmem:s29+$0x1420]  }
0x125: {  	v37 =	vld [tilespmem:s29+$0xFFFFE000];
	v27 =	vadd.f32 v27, v32;
	v32 =	vmul.f32 v34, v7  }
0x126: {  	v34 =	vld [tilespmem:s29+$0xFFFFE800];
	v29 =	vmul.f32 v29, v10  }
0x127: {  	v38 =	vld [tilespmem:s29+$0xFFFFF800];
	v32 =	vadd.f32 v32, v33;
	v33 =	vmul.f32 v35, v11  }
0x128: {  	v35 =	vld [tilespmem:s29+$0x800];
	v31 =	vmul.f32 v31, v13  }
0x129: {  	v39 =	vld [tilespmem:s29+$0x1800];
	v29 =	vadd.f32 v33, v29;
	v33 =	vmul.f32 v36, v14  }
0x12a: {  	v36 =	vmul.f32 v37, v2;
	v37 =	vld [tilespmem:s29+$0xFFFFE810]  }
0x12b: {  	v34 =	vmul.f32 v34, v4;
	v40 =	vld [tilespmem:s29+$0xFFFFF810];
	v31 =	vadd.f32 v33, v31  }
0x12c: {  	v30 =	vadd.f32 v30, v36;
	v33 =	vmul.f32 v38, v8;
	v36 =	vld [tilespmem:s29+$0x810]  }
0x12d: {  	v35 =	vmul.f32 v35, v12;
	v38 =	vld [tilespmem:s29+$0x1810]  }
0x12e: {  	v30 =	vadd.f32 v34, v30;
	v33 =	vadd.f32 v33, v23;
	v23 =	vmul.f32 v39, v15;
	v34 =	vld [tilespmem:s29+$0xFFFFE820]  }
0x12f: {  	v35 =	vadd.f32 v35, v22;
	v22 =	vmul.f32 v37, v4;
	v37 =	vld [tilespmem:s29+$0xFFFFF820]  }
0x130: {  	v39 =	vadd.f32 v23, v21;
	v21 =	vmul.f32 v40, v8;
	v23 =	vld [tilespmem:s29+$0x820]  }
0x131: {  	v40 =	vadd.f32 v22, v24;
	v22 =	vmul.f32 v36, v12;
	v24 =	vld [tilespmem:s29+$0x1820]  }
0x132: {  	v36 =	vld [tilespmem:s29+$0xFFFFEC00];
	v41 =	vadd.f32 v21, v25;
	v21 =	vmul.f32 v38, v15  }
0x133: {  	v25 =	vld [tilespmem:s29+$0xFFFFFC00];
	v38 =	vadd.f32 v22, v26;
	v22 =	vmul.f32 v34, v4  }
0x134: {  	v26 =	vld [tilespmem:s29+$0xC00];
	v34 =	vadd.f32 v21, v28;
	v28 =	vmul.f32 v37, v8  }
0x135: {  	v37 =	vld [tilespmem:s29+$0x1C00];
	v21 =	vadd.f32 v22, v27;
	v23 =	vmul.f32 v23, v12  }
0x136: {  	v27 =	vld [tilespmem:s29+$0xFFFFEC10];
	v22 =	vadd.f32 v28, v32;
	v24 =	vmul.f32 v24, v15  }
0x137: {  	v28 =	vmul.f32 v36, v5;
	v32 =	vld [tilespmem:s29+$0xFFFFFC10];
	v23 =	vadd.f32 v23, v29  }
0x138: {  	v25 =	vmul.f32 v25, v9;
	v29 =	vld [tilespmem:s29+$0xC10];
	v24 =	vadd.f32 v24, v31  }
0x139: {  	v28 =	vadd.f32 v28, v30;
	v26 =	vmul.f32 v26, v16;
	v30 =	vld [tilespmem:s29+$0x1C10]  }
0x13a: {  	v25 =	vadd.f32 v25, v33;
	v31 =	vmul.f32 v37, v17;
	v33 =	vld [tilespmem:s29+$0xFFFFEC20]  }
0x13b: {  	v35 =	vadd.f32 v26, v35;
	v27 =	vmul.f32 v27, v5;
	v36 =	vld [tilespmem:s29+$0xFFFFFC20]  }
.Ltmp1:
0x13c: {  	v31 =	vadd.f32 v31, v39;
	v25 =	vadd.f32 v25, v28;
	v28 =	vmul.f32 v32, v9;
	v26 =	vld [tilespmem:s29+$0xC20];
	(pc) =	sbr.rel @p1 .LBB2_5-.Ltmp1, $4  }
0x13d: {  	v32 =	vadd.f32 v27, v40;
	v37 =	vmul.f32 v29, v16;
	v29 =	vld [tilespmem:s29+$0x1C20]  }
0x13e: {  	v27 =	vadd.f32 v31, v35;
	v35 =	vadd.f32 v28, v41;
	v30 =	vmul.f32 v30, v17;
	[tilespmem:s26+$0x0] =	vst.add.f32.msk $0xffff, v18  }
0x13f: {  	v28 =	vadd.f32 v37, v38;
	v31 =	vmul.f32 v33, v5;
	[tilespmem:s26+$0x10] =	vst.add.f32.msk $0xffff, v19  }
0x140: {  	s29 =	sadd.s32 $0x40, s29;
	v30 =	vadd.f32 v30, v34;
	v19 =	vadd.f32 v35, v32;
	v32 =	vmul.f32 v36, v9;
	[tilespmem:s26+$0x20] =	vst.add.f32.msk $0xffff, v20;
	s26 =	smov.u32 s25  }
0x141: {  	_ = 	snop  }
0x142: {  	v2 =	vmul.f32 v26, v16;
	v3 =	vmul.f32 v29, v17  }
0x143: {  	v4 =	vadd.f32 v31, v21;
	v5 =	vadd.f32 v32, v22  }
0x144: {  	v2 =	vadd.f32 v2, v23;
	v3 =	vadd.f32 v3, v24  }
0x145: {  	v6 =	vadd.f32 v27, v25;
	v7 =	vadd.f32 v30, v28  }
.Ltmp2:
0x146: {  	v4 =	vadd.f32 v5, v4;
	v2 =	vadd.f32 v3, v2;
	(pc) =	sbr.rel @p0 .LBB2_8-.Ltmp2, $4  }
0x147: {  	v3 =	vadd.f32 v7, v19  }
0x148: {  	[tilespmem:s26+$0x0] =	vst.add.f32.msk $0xffff, v6;
	v2 =	vadd.f32 v2, v4  }
0x149: {  	[tilespmem:s26+$0x10] =	vst.add.f32.msk $0xffff, v3  }
0x14a: {  	[tilespmem:s26+$0x20] =	vst.add.f32.msk $0xffff, v2  }
0x14b: {  	s25 =	smul.u32 $0x30D400, s24  }
.Ltmp3:
0x14c: {  	_ = 	snop;
	(pc) =	sbr.rel .LBB2_2-.Ltmp3, $4  }
0x14d: {  	s25 =	sadd.s32 s25, s10  }
0x14e: {  	s25 =	sshrl.u32 s25, $0x3  }
0x14f: {  	s24 =	sadd.s32 $0x1, s24;
	s25 =	sadd.s32 s4, s25  }
0x150: {  	[tilespmem:s19], [sflag:$0x2] =	stream.strided.gather [hbm4b:s25+s16], $0x4000, s17, s16, $0x38;
	[tilespmem:$0x8820] =	vst v63  }
.LBB2_8:
0x151: {  	v2 =	vld [tilespmem:$0x400];
	s24 =	simm.s32 $0x10  }
0x152: {  	v3 =	vld [tilespmem:s24+$0x400];
	_ =	sdelay $0x3  }
0x153: {  	s25 =	simm.s32 $0x80;
	v4 =	vmov v1;
	s24 =	smov.u32 s14  }
.LBB2_9:
0x154: {  	s26 =	sshra.s32 s25, $0x2;
	p0 =	sne.s32 s25, $0xFC0;
	s25 =	sadd.s32 $0x40, s25;
	v5 =	vadd.s32 s24, v0;
	vm0 =	vgt.f32 v3, v2  }
.Ltmp4:
0x155: {  	v2 =	vsel vm0, v3, v2;
	v3 =	vld [tilespmem:s26+$0x400];
	v4 =	vsel vm0, v5, v4;
	(pc) =	sbr.rel @p0 .LBB2_9-.Ltmp4, $2  }
0x156: {  	_ =	sdelay $0x2  }
0x157: {  	s24 =	sadd.s32 $0x10, s24  }
0x158: {  	vm0 =	vgt.f32 v3, v2  }
0x159: {  	v5 =	vadd.s32 s24, v0;
	v2 =	vsel vm0, v3, v2  }
0x15a: {  	v3 =	vsel vm0, v5, v4;
	[tilespmem:$0x8800] =	vst v2  }
0x15b: {  	[tilespmem:$0x8810] =	vst v3  }
0x15c: {  	[hbm4b:s11+s2] =	stream.linear.scatter [tilespmem:s21], [sflag:$0x3], $0x10, $0x38;
	[tilespmem:$0x8820] =	vst v63  }
0x15d: {  	s23 =	sadd.s32 $0x1, s23;
	_ =	swait.ge [sflag:s15], $0x10  }
0x15e: {  	p0 =	sne.s32 s23, s13;
	[sflag:s15] =	ssyncset.done $0x0  }
.Ltmp5:
0x15f: {  	[sflag:s15] =	ssyncadd.s32 $0xFFFFFFF0;
	(pc) =	sbr.rel @p0 .LBB2_1-.Ltmp5, $4  }
0x160: {  	[hbm4b:s12+s2] =	stream.linear.scatter [tilespmem:s22], [sflag:$0x3], $0x10, $0x38;
	[tilespmem:$0x8820] =	vst v63  }
0x161: {  	_ =	swait.ge [sflag:s15], $0x10  }
0x162: {  	[sflag:s15] =	ssyncset.done $0x0  }
0x163: {  	[sflag:s15] =	ssyncadd.s32 $0xFFFFFFF0  }
0x164: {  	_ =	sfence.sel $0x180000  }
0x165: {  	[bflag:$0x0] =	sbarrier.arrive $0xFFFF  }
0x166: {  	p0 =	sne.s32 s0, $0x0;
	_ =	strace $0x90000047  }
0x167: {  	s0 =	sadd.s32 @!p0 $0x100000, s1;
	[bflag:$0x2] =	sbarrier.arrive $0xFFFF  }
0x168: {  	[sflag:s0] =	ssyncadd.tile.s32 @!p0 $0x1;
	_ =	shalt  }
.Lfunc_end2:
_tile_overlayer_lowered:
.L_overlay_start_2:
0x169: {  	(tag) =	ssettag $0x2  }
0x16a: {  	s0 =	rddreg [dreg:$0x0];
	s2 =	stileid.u32  }
0x16b: {  	s1 =	rddreg [dreg:$0x1];
	p0 =	sne.s32 s2, $0x0  }
0x16c: {  	s3 =	rddreg [dreg:$0x2];
	[bflag:$0x3] =	sbarrier.arrive $0xFFFF;
	s2 =	simm.s32 @!p0 $0x1C03  }
0x16d: {  	[timem:s3], [sflag:s2] =	dma.local @!p0 [hbm:s0], s1  }
0x16e: {  	s0 =	simm.s32 @!p0 $0x3  }
0x16f: {  	_ =	swait.ge @!p0 [sflag:s0], s1  }
0x170: {  	s1 =	ssub.s32 @!p0 $0x0, s1;
	[sflag:s0] =	ssyncset.done @!p0 $0x0  }
0x171: {  	[sflag:s0] =	ssyncadd.s32 @!p0 s1  }
0x172: {  	[bflag:$0x3] =	sbarrier.arrive $0xFFFF  }
0x173: {  	_ =	shalt  }

</sc_bundles>
